<compile_context>
chip_gen: v7x
topology: tpu7x:2x2x1
jax: 0.10.2.dev20260603
libtpu: 0.0.44.dev20260713+nightly
codegen_flags: <defaults>
</compile_context>

<pallas_src>
import functools

import jax
import jax.numpy as jnp
from jax import lax
from jax.experimental import pallas as pl
from jax.experimental.pallas import tpu as pltpu
from jax.experimental.pallas import tpu_sc as plsc

BATCH = 16384
D = 128
NC = 2
NS = 16
NW = NC * NS
CHUNK = 128
ROWS_PER_W = BATCH // NW
CHUNKS_PER_W = ROWS_PER_W // CHUNK
NT = 2 * CHUNKS_PER_W
NB = 7
GLEAD = 4
BM = 8192


def _sc_gather(user_idx, item_idx, user_table, item_table):
    mesh = plsc.VectorSubcoreMesh(
        core_axis_name="c", subcore_axis_name="s", num_cores=NC, num_subcores=NS
    )

    @functools.partial(
        pl.kernel,
        mesh=mesh,
        out_type=(
            jax.ShapeDtypeStruct((BATCH, D), jnp.float32),
            jax.ShapeDtypeStruct((BATCH, D), jnp.float32),
        ),
        scratch_types=[
            pltpu.VMEM((ROWS_PER_W,), jnp.int32),
            pltpu.VMEM((ROWS_PER_W,), jnp.int32),
            pltpu.VMEM((NB, CHUNK, D), jnp.float32),
            pltpu.SemaphoreType.DMA((NB,)),
            pltpu.SemaphoreType.DMA((NB,)),
            pltpu.SemaphoreType.DMA((2,)),
        ],
    )
    def gather_kernel(ui_hbm, ii_hbm, ut_hbm, it_hbm, u_out, i_out,
                      idx_u, idx_i, bufs, gsem, wsem, isem):
        wid = lax.axis_index("s") * NC + lax.axis_index("c")
        base = wid * CHUNKS_PER_W
        hu = pltpu.async_copy(
            ui_hbm.at[pl.ds(base * CHUNK, ROWS_PER_W)], idx_u, isem.at[0])
        hi = pltpu.async_copy(
            ii_hbm.at[pl.ds(base * CHUNK, ROWS_PER_W)], idx_i, isem.at[1])
        hu.wait()

        def chunk(t):
            j = t % CHUNKS_PER_W
            if t < CHUNKS_PER_W:
                return ut_hbm, idx_u.at[pl.ds(j * CHUNK, CHUNK)], u_out, j
            return it_hbm, idx_i.at[pl.ds(j * CHUNK, CHUNK)], i_out, j

        ghandles = [None] * NT
        whandles = [None] * NT

        def retire(tt):
            mm = tt % NB
            _, _, out2, j2 = chunk(tt)
            ghandles[tt].wait()
            whandles[tt] = pltpu.async_copy(
                bufs.at[mm], out2.at[pl.ds((base + j2) * CHUNK, CHUNK)], wsem.at[mm]
            )

        for t in range(NT):
            m = t % NB
            if t == CHUNKS_PER_W:
                hi.wait()
            if t >= NB:
                whandles[t - NB].wait()
            table, idxref, _, _ = chunk(t)
            ghandles[t] = pltpu.async_copy(table.at[idxref], bufs.at[m], gsem.at[m])
            if t >= GLEAD:
                retire(t - GLEAD)
        for tt in range(NT - GLEAD, NT):
            retire(tt)
        for tt in range(max(0, NT - NB), NT):
            whandles[tt].wait()

    return gather_kernel(user_idx, item_idx, user_table, item_table)


def _tc_mlp(u_rows, i_rows, W1, b2):

    def body(u_ref, i_ref, w_ref, b_ref, o_ref):
        dn = (((1,), (1,)), ((), ()))
        acc = lax.dot_general(u_ref[...], w_ref[:, 0:D], dn,
                              preferred_element_type=jnp.float32)
        acc += lax.dot_general(i_ref[...], w_ref[:, D : 2 * D], dn,
                               preferred_element_type=jnp.float32)
        acc += b_ref[...]
        o_ref[...] = jnp.maximum(acc, 0.0)

    return pl.pallas_call(
        body,
        grid=(BATCH // BM,),
        in_specs=[
            pl.BlockSpec((BM, D), lambda i: (i, 0)),
            pl.BlockSpec((BM, D), lambda i: (i, 0)),
            pl.BlockSpec((D, 2 * D), lambda i: (0, 0)),
            pl.BlockSpec((1, D), lambda i: (0, 0)),
        ],
        out_specs=pl.BlockSpec((BM, D), lambda i: (i, 0)),
        out_shape=jax.ShapeDtypeStruct((BATCH, D), jnp.float32),
    )(u_rows, i_rows, W1, b2)


def kernel(user_indices, item_indices, user_table, item_table, W1, b1):
    u_rows, i_rows = _sc_gather(user_indices, item_indices, user_table, item_table)
    return _tc_mlp(u_rows, i_rows, W1, b1.reshape(1, D))

# --- scband reference (transcript-rebuilt; emitter-appended) ---
"""Pipeline reference for scband-mlp-27238682592000 (READ-ONLY COPY).

The authoritative reference and input builder live on the scoring server;
editing this copy changes nothing except your own understanding.
"""

import jax, jax.numpy as jnp
import numpy as np

NUM_USERS = 100000
NUM_ITEMS = 1000000
LATENT_DIM = 128
BATCH = 16384


def setup_inputs(seed: int = 0) -> dict:
    key = jax.random.key(seed)
    k1, k2, k3, k4, k5, k6 = jax.random.split(key, 6)
    user_indices = jax.random.randint(k1, (BATCH,), 0, NUM_USERS, dtype=jnp.int64 if jax.config.jax_enable_x64 else jnp.int32)
    item_indices = jax.random.randint(k2, (BATCH,), 0, NUM_ITEMS, dtype=jnp.int64 if jax.config.jax_enable_x64 else jnp.int32)
    user_table = jax.random.normal(k3, (NUM_USERS, LATENT_DIM), dtype=jnp.float32)
    item_table = jax.random.normal(k4, (NUM_ITEMS, LATENT_DIM), dtype=jnp.float32)
    # fc1: Linear(latent_dim*2 -> latent_dim); torch weight layout [out, in]
    lim = 1.0 / np.sqrt(LATENT_DIM * 2)
    W1 = jax.random.uniform(k5, (LATENT_DIM, LATENT_DIM * 2), dtype=jnp.float32, minval=-lim, maxval=lim)
    b1 = jax.random.uniform(k6, (LATENT_DIM,), dtype=jnp.float32, minval=-lim, maxval=lim)
    return {
        "user_indices": user_indices,
        "item_indices": item_indices,
        "user_table": user_table,
        "item_table": item_table,
        "W1": W1,
        "b1": b1,
    }


def reference(user_indices, item_indices, user_table, item_table, W1, b1):
    user_vecs = jnp.take(user_table, user_indices, axis=0)
    item_vecs = jnp.take(item_table, item_indices, axis=0)
    x = jnp.concatenate([user_vecs, item_vecs], axis=-1)
    y = x @ W1.T + b1
    return jax.nn.relu(y)

if __name__ == "__main__":
    import jax
    _d = setup_inputs()
    print(jax.jit(kernel)(*tuple(_d.values())))

</pallas_src>

<mosaic_0001>
#map = affine_map<(d0, d1) -> (0)>
#map1 = affine_map<(d0, d1) -> (0, 0)>
module attributes {stable_mosaic.version = 14 : i64} {
  func.func @gather_kernel(%arg0: i32, %arg1: i32, %arg2: memref<16384xi32, #tpu.memory_space<hbm>>, %arg3: memref<16384xi32, #tpu.memory_space<hbm>>, %arg4: memref<100000x128xf32, #tpu.memory_space<hbm>>, %arg5: memref<1000000x128xf32, #tpu.memory_space<hbm>>, %arg6: memref<16384x128xf32, #tpu.memory_space<hbm>>, %arg7: memref<16384x128xf32, #tpu.memory_space<hbm>>, %arg8: memref<512xi32, #tpu.memory_space<vmem>>, %arg9: memref<512xi32, #tpu.memory_space<vmem>>, %arg10: memref<7x128x128xf32, #tpu.memory_space<vmem>>, %arg11: memref<7x!tpu.dma_semaphore, #tpu.memory_space<semaphore_mem>>, %arg12: memref<7x!tpu.dma_semaphore, #tpu.memory_space<semaphore_mem>>, %arg13: memref<2x!tpu.dma_semaphore, #tpu.memory_space<semaphore_mem>>) attributes {dimension_semantics = [#tpu.dimension_semantics<core_parallel>, #tpu.dimension_semantics<subcore_parallel>], iteration_bounds = array<i64: 2, 16>, scalar_prefetch = 0 : i64, scratch_operands = 6 : i64, tpu.core_type = #tpu.core_type<sc_vector_subcore>, window_params = [{transform_indices = #map}, {transform_indices = #map}, {transform_indices = #map1}, {transform_indices = #map1}, {transform_indices = #map1}, {transform_indices = #map1}]} {
    %mul3A = arith.constant 2 : i32
    %mul3A_0 = arith.muli %arg1, %mul3A : i32
    %add3A = arith.addi %mul3A_0, %arg0 : i32
    %mul3A_1 = arith.constant 4 : i32
    %mul3A_2 = arith.muli %add3A, %mul3A_1 : i32
    %mul3A_3 = arith.constant 128 : i32
    %mul3A_4 = arith.muli %mul3A_2, %mul3A_3 : i32
    %dma_start3A = arith.constant 0 : i32
    %dma_start3A_5 = tpu.memref_slice %arg2[%mul3A_4] : memref<16384xi32, #tpu.memory_space<hbm>> -> memref<512xi32, #tpu.memory_space<hbm>>
    %dma_start3A_6 = tpu.memref_slice %arg13[%dma_start3A] : memref<2x!tpu.dma_semaphore, #tpu.memory_space<semaphore_mem>> -> memref<1x!tpu.dma_semaphore, #tpu.memory_space<semaphore_mem>>
    %dma_start3A_7 = tpu.memref_squeeze %dma_start3A_6 : memref<1x!tpu.dma_semaphore, #tpu.memory_space<semaphore_mem>> -> memref<!tpu.dma_semaphore, #tpu.memory_space<semaphore_mem>>
    %dma_start3A_8 = tpu.memref_slice %arg2[%mul3A_4] : memref<16384xi32, #tpu.memory_space<hbm>> -> memref<512xi32, #tpu.memory_space<hbm>>
    tpu.enqueue_dma source(%dma_start3A_8 : memref<512xi32, #tpu.memory_space<hbm>>) target(%arg8 : memref<512xi32, #tpu.memory_space<vmem>>) target_semaphore(%dma_start3A_7 : memref<!tpu.dma_semaphore, #tpu.memory_space<semaphore_mem>>)
    %mul3A_9 = arith.constant 128 : i32
    %mul3A_10 = arith.muli %mul3A_2, %mul3A_9 : i32
    %dma_start3A_11 = arith.constant 1 : i32
    %dma_start3A_12 = tpu.memref_slice %arg3[%mul3A_10] : memref<16384xi32, #tpu.memory_space<hbm>> -> memref<512xi32, #tpu.memory_space<hbm>>
    %dma_start3A_13 = tpu.memref_slice %arg13[%dma_start3A_11] : memref<2x!tpu.dma_semaphore, #tpu.memory_space<semaphore_mem>> -> memref<1x!tpu.dma_semaphore, #tpu.memory_space<semaphore_mem>>
    %dma_start3A_14 = tpu.memref_squeeze %dma_start3A_13 : memref<1x!tpu.dma_semaphore, #tpu.memory_space<semaphore_mem>> -> memref<!tpu.dma_semaphore, #tpu.memory_space<semaphore_mem>>
    %dma_start3A_15 = tpu.memref_slice %arg3[%mul3A_10] : memref<16384xi32, #tpu.memory_space<hbm>> -> memref<512xi32, #tpu.memory_space<hbm>>
    tpu.enqueue_dma source(%dma_start3A_15 : memref<512xi32, #tpu.memory_space<hbm>>) target(%arg9 : memref<512xi32, #tpu.memory_space<vmem>>) target_semaphore(%dma_start3A_14 : memref<!tpu.dma_semaphore, #tpu.memory_space<semaphore_mem>>)
    %dma_wait3A = arith.constant 0 : i32
    %dma_wait3A_16 = tpu.memref_slice %arg2[%mul3A_4] : memref<16384xi32, #tpu.memory_space<hbm>> -> memref<512xi32, #tpu.memory_space<hbm>>
    %dma_wait3A_17 = tpu.memref_slice %arg13[%dma_wait3A] : memref<2x!tpu.dma_semaphore, #tpu.memory_space<semaphore_mem>> -> memref<1x!tpu.dma_semaphore, #tpu.memory_space<semaphore_mem>>
    %dma_wait3A_18 = tpu.memref_squeeze %dma_wait3A_17 : memref<1x!tpu.dma_semaphore, #tpu.memory_space<semaphore_mem>> -> memref<!tpu.dma_semaphore, #tpu.memory_space<semaphore_mem>>
    %dma_wait3A_19 = tpu.memref_slice %arg2[%mul3A_4] : memref<16384xi32, #tpu.memory_space<hbm>> -> memref<512xi32, #tpu.memory_space<hbm>>
    tpu.wait_dma2 semaphore(%dma_wait3A_18 : memref<!tpu.dma_semaphore, #tpu.memory_space<semaphore_mem>>) src(%dma_wait3A_19 : memref<512xi32, #tpu.memory_space<hbm>>) dst(%arg8 : memref<512xi32, #tpu.memory_space<vmem>>)
    %dma_start3A_20 = arith.constant 0 : i32
    %dma_start3A_21 = arith.constant 0 : i32
    %dma_start3A_22 = arith.constant 0 : i32
    %dma_start3A_23 = arith.constant 0 : i32
    %dma_start3A_24 = tpu.memref_slice %arg10[%dma_start3A_20, %dma_start3A_22, %dma_start3A_23] : memref<7x128x128xf32, #tpu.memory_space<vmem>> -> memref<1x128x128xf32, #tpu.memory_space<vmem>>
    %dma_start3A_25 = tpu.memref_squeeze %dma_start3A_24 : memref<1x128x128xf32, #tpu.memory_space<vmem>> -> memref<128x128xf32, #tpu.memory_space<vmem>>
    %dma_start3A_26 = arith.constant 0 : i32
    %dma_start3A_27 = tpu.memref_slice %arg8[%dma_start3A_26] : memref<512xi32, #tpu.memory_space<vmem>> -> memref<128xi32, #tpu.memory_space<vmem>>
    %dma_start3A_28 = arith.constant 0 : i32
    %dma_start3A_29 = arith.constant 0 : i32
    %dma_start3A_30 = tpu.memref_slice %arg4[%dma_start3A_28, %dma_start3A_29] : memref<100000x128xf32, #tpu.memory_space<hbm>> -> memref<100000x128xf32, #tpu.memory_space<hbm>>
    %dma_start3A_31 = tpu.memref_slice %arg11[%dma_start3A_21] : memref<7x!tpu.dma_semaphore, #tpu.memory_space<semaphore_mem>> -> memref<1x!tpu.dma_semaphore, #tpu.memory_space<semaphore_mem>>
    %dma_start3A_32 = tpu.memref_squeeze %dma_start3A_31 : memref<1x!tpu.dma_semaphore, #tpu.memory_space<semaphore_mem>> -> memref<!tpu.dma_semaphore, #tpu.memory_space<semaphore_mem>>
    tpu.enqueue_indirect_dma source(%dma_start3A_30 : memref<100000x128xf32, #tpu.memory_space<hbm>>) target(%dma_start3A_25 : memref<128x128xf32, #tpu.memory_space<vmem>>) offsets(%dma_start3A_27 : memref<128xi32, #tpu.memory_space<vmem>>) semaphore(%dma_start3A_32 : memref<!tpu.dma_semaphore, #tpu.memory_space<semaphore_mem>>)
    %dma_start3A_33 = arith.constant 1 : i32
    %dma_start3A_34 = arith.constant 1 : i32
    %dma_start3A_35 = arith.constant 0 : i32
    %dma_start3A_36 = arith.constant 0 : i32
    %dma_start3A_37 = tpu.memref_slice %arg10[%dma_start3A_33, %dma_start3A_35, %dma_start3A_36] : memref<7x128x128xf32, #tpu.memory_space<vmem>> -> memref<1x128x128xf32, #tpu.memory_space<vmem>>
    %dma_start3A_38 = tpu.memref_squeeze %dma_start3A_37 : memref<1x128x128xf32, #tpu.memory_space<vmem>> -> memref<128x128xf32, #tpu.memory_space<vmem>>
    %dma_start3A_39 = arith.constant 128 : i32
    %dma_start3A_40 = tpu.memref_slice %arg8[%dma_start3A_39] : memref<512xi32, #tpu.memory_space<vmem>> -> memref<128xi32, #tpu.memory_space<vmem>>
    %dma_start3A_41 = arith.constant 0 : i32
    %dma_start3A_42 = arith.constant 0 : i32
    %dma_start3A_43 = tpu.memref_slice %arg4[%dma_start3A_41, %dma_start3A_42] : memref<100000x128xf32, #tpu.memory_space<hbm>> -> memref<100000x128xf32, #tpu.memory_space<hbm>>
    %dma_start3A_44 = tpu.memref_slice %arg11[%dma_start3A_34] : memref<7x!tpu.dma_semaphore, #tpu.memory_space<semaphore_mem>> -> memref<1x!tpu.dma_semaphore, #tpu.memory_space<semaphore_mem>>
    %dma_start3A_45 = tpu.memref_squeeze %dma_start3A_44 : memref<1x!tpu.dma_semaphore, #tpu.memory_space<semaphore_mem>> -> memref<!tpu.dma_semaphore, #tpu.memory_space<semaphore_mem>>
    tpu.enqueue_indirect_dma source(%dma_start3A_43 : memref<100000x128xf32, #tpu.memory_space<hbm>>) target(%dma_start3A_38 : memref<128x128xf32, #tpu.memory_space<vmem>>) offsets(%dma_start3A_40 : memref<128xi32, #tpu.memory_space<vmem>>) semaphore(%dma_start3A_45 : memref<!tpu.dma_semaphore, #tpu.memory_space<semaphore_mem>>)
    %dma_start3A_46 = arith.constant 2 : i32
    %dma_start3A_47 = arith.constant 2 : i32
    %dma_start3A_48 = arith.constant 0 : i32
    %dma_start3A_49 = arith.constant 0 : i32
    %dma_start3A_50 = tpu.memref_slice %arg10[%dma_start3A_46, %dma_start3A_48, %dma_start3A_49] : memref<7x128x128xf32, #tpu.memory_space<vmem>> -> memref<1x128x128xf32, #tpu.memory_space<vmem>>
    %dma_start3A_51 = tpu.memref_squeeze %dma_start3A_50 : memref<1x128x128xf32, #tpu.memory_space<vmem>> -> memref<128x128xf32, #tpu.memory_space<vmem>>
    %dma_start3A_52 = arith.constant 256 : i32
    %dma_start3A_53 = tpu.memref_slice %arg8[%dma_start3A_52] : memref<512xi32, #tpu.memory_space<vmem>> -> memref<128xi32, #tpu.memory_space<vmem>>
    %dma_start3A_54 = arith.constant 0 : i32
    %dma_start3A_55 = arith.constant 0 : i32
    %dma_start3A_56 = tpu.memref_slice %arg4[%dma_start3A_54, %dma_start3A_55] : memref<100000x128xf32, #tpu.memory_space<hbm>> -> memref<100000x128xf32, #tpu.memory_space<hbm>>
    %dma_start3A_57 = tpu.memref_slice %arg11[%dma_start3A_47] : memref<7x!tpu.dma_semaphore, #tpu.memory_space<semaphore_mem>> -> memref<1x!tpu.dma_semaphore, #tpu.memory_space<semaphore_mem>>
    %dma_start3A_58 = tpu.memref_squeeze %dma_start3A_57 : memref<1x!tpu.dma_semaphore, #tpu.memory_space<semaphore_mem>> -> memref<!tpu.dma_semaphore, #tpu.memory_space<semaphore_mem>>
    tpu.enqueue_indirect_dma source(%dma_start3A_56 : memref<100000x128xf32, #tpu.memory_space<hbm>>) target(%dma_start3A_51 : memref<128x128xf32, #tpu.memory_space<vmem>>) offsets(%dma_start3A_53 : memref<128xi32, #tpu.memory_space<vmem>>) semaphore(%dma_start3A_58 : memref<!tpu.dma_semaphore, #tpu.memory_space<semaphore_mem>>)
    %dma_start3A_59 = arith.constant 3 : i32
    %dma_start3A_60 = arith.constant 3 : i32
    %dma_start3A_61 = arith.constant 0 : i32
    %dma_start3A_62 = arith.constant 0 : i32
    %dma_start3A_63 = tpu.memref_slice %arg10[%dma_start3A_59, %dma_start3A_61, %dma_start3A_62] : memref<7x128x128xf32, #tpu.memory_space<vmem>> -> memref<1x128x128xf32, #tpu.memory_space<vmem>>
    %dma_start3A_64 = tpu.memref_squeeze %dma_start3A_63 : memref<1x128x128xf32, #tpu.memory_space<vmem>> -> memref<128x128xf32, #tpu.memory_space<vmem>>
    %dma_start3A_65 = arith.constant 384 : i32
    %dma_start3A_66 = tpu.memref_slice %arg8[%dma_start3A_65] : memref<512xi32, #tpu.memory_space<vmem>> -> memref<128xi32, #tpu.memory_space<vmem>>
    %dma_start3A_67 = arith.constant 0 : i32
    %dma_start3A_68 = arith.constant 0 : i32
    %dma_start3A_69 = tpu.memref_slice %arg4[%dma_start3A_67, %dma_start3A_68] : memref<100000x128xf32, #tpu.memory_space<hbm>> -> memref<100000x128xf32, #tpu.memory_space<hbm>>
    %dma_start3A_70 = tpu.memref_slice %arg11[%dma_start3A_60] : memref<7x!tpu.dma_semaphore, #tpu.memory_space<semaphore_mem>> -> memref<1x!tpu.dma_semaphore, #tpu.memory_space<semaphore_mem>>
    %dma_start3A_71 = tpu.memref_squeeze %dma_start3A_70 : memref<1x!tpu.dma_semaphore, #tpu.memory_space<semaphore_mem>> -> memref<!tpu.dma_semaphore, #tpu.memory_space<semaphore_mem>>
    tpu.enqueue_indirect_dma source(%dma_start3A_69 : memref<100000x128xf32, #tpu.memory_space<hbm>>) target(%dma_start3A_64 : memref<128x128xf32, #tpu.memory_space<vmem>>) offsets(%dma_start3A_66 : memref<128xi32, #tpu.memory_space<vmem>>) semaphore(%dma_start3A_71 : memref<!tpu.dma_semaphore, #tpu.memory_space<semaphore_mem>>)
    %dma_wait3A_72 = arith.constant 1 : i32
    %dma_wait3A_73 = tpu.memref_slice %arg3[%mul3A_10] : memref<16384xi32, #tpu.memory_space<hbm>> -> memref<512xi32, #tpu.memory_space<hbm>>
    %dma_wait3A_74 = tpu.memref_slice %arg13[%dma_wait3A_72] : memref<2x!tpu.dma_semaphore, #tpu.memory_space<semaphore_mem>> -> memref<1x!tpu.dma_semaphore, #tpu.memory_space<semaphore_mem>>
    %dma_wait3A_75 = tpu.memref_squeeze %dma_wait3A_74 : memref<1x!tpu.dma_semaphore, #tpu.memory_space<semaphore_mem>> -> memref<!tpu.dma_semaphore, #tpu.memory_space<semaphore_mem>>
    %dma_wait3A_76 = tpu.memref_slice %arg3[%mul3A_10] : memref<16384xi32, #tpu.memory_space<hbm>> -> memref<512xi32, #tpu.memory_space<hbm>>
    tpu.wait_dma2 semaphore(%dma_wait3A_75 : memref<!tpu.dma_semaphore, #tpu.memory_space<semaphore_mem>>) src(%dma_wait3A_76 : memref<512xi32, #tpu.memory_space<hbm>>) dst(%arg9 : memref<512xi32, #tpu.memory_space<vmem>>)
    %dma_start3A_77 = arith.constant 4 : i32
    %dma_start3A_78 = arith.constant 4 : i32
    %dma_start3A_79 = arith.constant 0 : i32
    %dma_start3A_80 = arith.constant 0 : i32
    %dma_start3A_81 = tpu.memref_slice %arg10[%dma_start3A_77, %dma_start3A_79, %dma_start3A_80] : memref<7x128x128xf32, #tpu.memory_space<vmem>> -> memref<1x128x128xf32, #tpu.memory_space<vmem>>
    %dma_start3A_82 = tpu.memref_squeeze %dma_start3A_81 : memref<1x128x128xf32, #tpu.memory_space<vmem>> -> memref<128x128xf32, #tpu.memory_space<vmem>>
    %dma_start3A_83 = arith.constant 0 : i32
    %dma_start3A_84 = tpu.memref_slice %arg9[%dma_start3A_83] : memref<512xi32, #tpu.memory_space<vmem>> -> memref<128xi32, #tpu.memory_space<vmem>>
    %dma_start3A_85 = arith.constant 0 : i32
    %dma_start3A_86 = arith.constant 0 : i32
    %dma_start3A_87 = tpu.memref_slice %arg5[%dma_start3A_85, %dma_start3A_86] : memref<1000000x128xf32, #tpu.memory_space<hbm>> -> memref<1000000x128xf32, #tpu.memory_space<hbm>>
    %dma_start3A_88 = tpu.memref_slice %arg11[%dma_start3A_78] : memref<7x!tpu.dma_semaphore, #tpu.memory_space<semaphore_mem>> -> memref<1x!tpu.dma_semaphore, #tpu.memory_space<semaphore_mem>>
    %dma_start3A_89 = tpu.memref_squeeze %dma_start3A_88 : memref<1x!tpu.dma_semaphore, #tpu.memory_space<semaphore_mem>> -> memref<!tpu.dma_semaphore, #tpu.memory_space<semaphore_mem>>
    tpu.enqueue_indirect_dma source(%dma_start3A_87 : memref<1000000x128xf32, #tpu.memory_space<hbm>>) target(%dma_start3A_82 : memref<128x128xf32, #tpu.memory_space<vmem>>) offsets(%dma_start3A_84 : memref<128xi32, #tpu.memory_space<vmem>>) semaphore(%dma_start3A_89 : memref<!tpu.dma_semaphore, #tpu.memory_space<semaphore_mem>>)
    %dma_wait3A_90 = arith.constant 0 : i32
    %dma_wait3A_91 = arith.constant 0 : i32
    %dma_wait3A_92 = arith.constant 0 : i32
    %dma_wait3A_93 = arith.constant 0 : i32
    %dma_wait3A_94 = tpu.memref_slice %arg10[%dma_wait3A_90, %dma_wait3A_92, %dma_wait3A_93] : memref<7x128x128xf32, #tpu.memory_space<vmem>> -> memref<1x128x128xf32, #tpu.memory_space<vmem>>
    %dma_wait3A_95 = tpu.memref_squeeze %dma_wait3A_94 : memref<1x128x128xf32, #tpu.memory_space<vmem>> -> memref<128x128xf32, #tpu.memory_space<vmem>>
    %dma_wait3A_96 = arith.constant 0 : i32
    %dma_wait3A_97 = tpu.memref_slice %arg8[%dma_wait3A_96] : memref<512xi32, #tpu.memory_space<vmem>> -> memref<128xi32, #tpu.memory_space<vmem>>
    %dma_wait3A_98 = arith.constant 0 : i32
    %dma_wait3A_99 = arith.constant 0 : i32
    %dma_wait3A_100 = tpu.memref_slice %arg4[%dma_wait3A_98, %dma_wait3A_99] : memref<100000x128xf32, #tpu.memory_space<hbm>> -> memref<100000x128xf32, #tpu.memory_space<hbm>>
    %dma_wait3A_101 = tpu.memref_slice %arg11[%dma_wait3A_91] : memref<7x!tpu.dma_semaphore, #tpu.memory_space<semaphore_mem>> -> memref<1x!tpu.dma_semaphore, #tpu.memory_space<semaphore_mem>>
    %dma_wait3A_102 = tpu.memref_squeeze %dma_wait3A_101 : memref<1x!tpu.dma_semaphore, #tpu.memory_space<semaphore_mem>> -> memref<!tpu.dma_semaphore, #tpu.memory_space<semaphore_mem>>
    tpu.wait_indirect_dma semaphore(%dma_wait3A_102 : memref<!tpu.dma_semaphore, #tpu.memory_space<semaphore_mem>>) src(%dma_wait3A_100 : memref<100000x128xf32, #tpu.memory_space<hbm>>) dst(%dma_wait3A_95 : memref<128x128xf32, #tpu.memory_space<vmem>>)
    %add3A_103 = arith.constant 0 : i32
    %add3A_104 = arith.addi %mul3A_2, %add3A_103 : i32
    %mul3A_105 = arith.constant 128 : i32
    %mul3A_106 = arith.muli %add3A_104, %mul3A_105 : i32
    %dma_start3A_107 = arith.constant 0 : i32
    %dma_start3A_108 = arith.constant 0 : i32
    %dma_start3A_109 = arith.constant 0 : i32
    %dma_start3A_110 = arith.constant 0 : i32
    %dma_start3A_111 = tpu.memref_slice %arg10[%dma_start3A_107, %dma_start3A_109, %dma_start3A_110] : memref<7x128x128xf32, #tpu.memory_space<vmem>> -> memref<1x128x128xf32, #tpu.memory_space<vmem>>
    %dma_start3A_112 = tpu.memref_squeeze %dma_start3A_111 : memref<1x128x128xf32, #tpu.memory_space<vmem>> -> memref<128x128xf32, #tpu.memory_space<vmem>>
    %dma_start3A_113 = arith.constant 0 : i32
    %dma_start3A_114 = tpu.memref_slice %arg6[%mul3A_106, %dma_start3A_113] : memref<16384x128xf32, #tpu.memory_space<hbm>> -> memref<128x128xf32, #tpu.memory_space<hbm>>
    %dma_start3A_115 = tpu.memref_slice %arg12[%dma_start3A_108] : memref<7x!tpu.dma_semaphore, #tpu.memory_space<semaphore_mem>> -> memref<1x!tpu.dma_semaphore, #tpu.memory_space<semaphore_mem>>
    %dma_start3A_116 = tpu.memref_squeeze %dma_start3A_115 : memref<1x!tpu.dma_semaphore, #tpu.memory_space<semaphore_mem>> -> memref<!tpu.dma_semaphore, #tpu.memory_space<semaphore_mem>>
    %dma_start3A_117 = arith.constant 0 : i32
    %dma_start3A_118 = tpu.memref_slice %arg6[%mul3A_106, %dma_start3A_117] : memref<16384x128xf32, #tpu.memory_space<hbm>> -> memref<128x128xf32, #tpu.memory_space<hbm>>
    %dma_start3A_119 = arith.constant 0 : i32
    %dma_start3A_120 = arith.constant 0 : i32
    %dma_start3A_121 = tpu.memref_slice %arg10[%dma_start3A_107, %dma_start3A_119, %dma_start3A_120] : memref<7x128x128xf32, #tpu.memory_space<vmem>> -> memref<1x128x128xf32, #tpu.memory_space<vmem>>
    %dma_start3A_122 = tpu.memref_squeeze %dma_start3A_121 : memref<1x128x128xf32, #tpu.memory_space<vmem>> -> memref<128x128xf32, #tpu.memory_space<vmem>>
    tpu.enqueue_dma source(%dma_start3A_122 : memref<128x128xf32, #tpu.memory_space<vmem>>) target(%dma_start3A_118 : memref<128x128xf32, #tpu.memory_space<hbm>>) target_semaphore(%dma_start3A_116 : memref<!tpu.dma_semaphore, #tpu.memory_space<semaphore_mem>>)
    %dma_start3A_123 = arith.constant 5 : i32
    %dma_start3A_124 = arith.constant 5 : i32
    %dma_start3A_125 = arith.constant 0 : i32
    %dma_start3A_126 = arith.constant 0 : i32
    %dma_start3A_127 = tpu.memref_slice %arg10[%dma_start3A_123, %dma_start3A_125, %dma_start3A_126] : memref<7x128x128xf32, #tpu.memory_space<vmem>> -> memref<1x128x128xf32, #tpu.memory_space<vmem>>
    %dma_start3A_128 = tpu.memref_squeeze %dma_start3A_127 : memref<1x128x128xf32, #tpu.memory_space<vmem>> -> memref<128x128xf32, #tpu.memory_space<vmem>>
    %dma_start3A_129 = arith.constant 128 : i32
    %dma_start3A_130 = tpu.memref_slice %arg9[%dma_start3A_129] : memref<512xi32, #tpu.memory_space<vmem>> -> memref<128xi32, #tpu.memory_space<vmem>>
    %dma_start3A_131 = arith.constant 0 : i32
    %dma_start3A_132 = arith.constant 0 : i32
    %dma_start3A_133 = tpu.memref_slice %arg5[%dma_start3A_131, %dma_start3A_132] : memref<1000000x128xf32, #tpu.memory_space<hbm>> -> memref<1000000x128xf32, #tpu.memory_space<hbm>>
    %dma_start3A_134 = tpu.memref_slice %arg11[%dma_start3A_124] : memref<7x!tpu.dma_semaphore, #tpu.memory_space<semaphore_mem>> -> memref<1x!tpu.dma_semaphore, #tpu.memory_space<semaphore_mem>>
    %dma_start3A_135 = tpu.memref_squeeze %dma_start3A_134 : memref<1x!tpu.dma_semaphore, #tpu.memory_space<semaphore_mem>> -> memref<!tpu.dma_semaphore, #tpu.memory_space<semaphore_mem>>
    tpu.enqueue_indirect_dma source(%dma_start3A_133 : memref<1000000x128xf32, #tpu.memory_space<hbm>>) target(%dma_start3A_128 : memref<128x128xf32, #tpu.memory_space<vmem>>) offsets(%dma_start3A_130 : memref<128xi32, #tpu.memory_space<vmem>>) semaphore(%dma_start3A_135 : memref<!tpu.dma_semaphore, #tpu.memory_space<semaphore_mem>>)
    %dma_wait3A_136 = arith.constant 1 : i32
    %dma_wait3A_137 = arith.constant 1 : i32
    %dma_wait3A_138 = arith.constant 0 : i32
    %dma_wait3A_139 = arith.constant 0 : i32
    %dma_wait3A_140 = tpu.memref_slice %arg10[%dma_wait3A_136, %dma_wait3A_138, %dma_wait3A_139] : memref<7x128x128xf32, #tpu.memory_space<vmem>> -> memref<1x128x128xf32, #tpu.memory_space<vmem>>
    %dma_wait3A_141 = tpu.memref_squeeze %dma_wait3A_140 : memref<1x128x128xf32, #tpu.memory_space<vmem>> -> memref<128x128xf32, #tpu.memory_space<vmem>>
    %dma_wait3A_142 = arith.constant 128 : i32
    %dma_wait3A_143 = tpu.memref_slice %arg8[%dma_wait3A_142] : memref<512xi32, #tpu.memory_space<vmem>> -> memref<128xi32, #tpu.memory_space<vmem>>
    %dma_wait3A_144 = arith.constant 0 : i32
    %dma_wait3A_145 = arith.constant 0 : i32
    %dma_wait3A_146 = tpu.memref_slice %arg4[%dma_wait3A_144, %dma_wait3A_145] : memref<100000x128xf32, #tpu.memory_space<hbm>> -> memref<100000x128xf32, #tpu.memory_space<hbm>>
    %dma_wait3A_147 = tpu.memref_slice %arg11[%dma_wait3A_137] : memref<7x!tpu.dma_semaphore, #tpu.memory_space<semaphore_mem>> -> memref<1x!tpu.dma_semaphore, #tpu.memory_space<semaphore_mem>>
    %dma_wait3A_148 = tpu.memref_squeeze %dma_wait3A_147 : memref<1x!tpu.dma_semaphore, #tpu.memory_space<semaphore_mem>> -> memref<!tpu.dma_semaphore, #tpu.memory_space<semaphore_mem>>
    tpu.wait_indirect_dma semaphore(%dma_wait3A_148 : memref<!tpu.dma_semaphore, #tpu.memory_space<semaphore_mem>>) src(%dma_wait3A_146 : memref<100000x128xf32, #tpu.memory_space<hbm>>) dst(%dma_wait3A_141 : memref<128x128xf32, #tpu.memory_space<vmem>>)
    %add3A_149 = arith.constant 1 : i32
    %add3A_150 = arith.addi %mul3A_2, %add3A_149 : i32
    %mul3A_151 = arith.constant 128 : i32
    %mul3A_152 = arith.muli %add3A_150, %mul3A_151 : i32
    %dma_start3A_153 = arith.constant 1 : i32
    %dma_start3A_154 = arith.constant 1 : i32
    %dma_start3A_155 = arith.constant 0 : i32
    %dma_start3A_156 = arith.constant 0 : i32
    %dma_start3A_157 = tpu.memref_slice %arg10[%dma_start3A_153, %dma_start3A_155, %dma_start3A_156] : memref<7x128x128xf32, #tpu.memory_space<vmem>> -> memref<1x128x128xf32, #tpu.memory_space<vmem>>
    %dma_start3A_158 = tpu.memref_squeeze %dma_start3A_157 : memref<1x128x128xf32, #tpu.memory_space<vmem>> -> memref<128x128xf32, #tpu.memory_space<vmem>>
    %dma_start3A_159 = arith.constant 0 : i32
    %dma_start3A_160 = tpu.memref_slice %arg6[%mul3A_152, %dma_start3A_159] : memref<16384x128xf32, #tpu.memory_space<hbm>> -> memref<128x128xf32, #tpu.memory_space<hbm>>
    %dma_start3A_161 = tpu.memref_slice %arg12[%dma_start3A_154] : memref<7x!tpu.dma_semaphore, #tpu.memory_space<semaphore_mem>> -> memref<1x!tpu.dma_semaphore, #tpu.memory_space<semaphore_mem>>
    %dma_start3A_162 = tpu.memref_squeeze %dma_start3A_161 : memref<1x!tpu.dma_semaphore, #tpu.memory_space<semaphore_mem>> -> memref<!tpu.dma_semaphore, #tpu.memory_space<semaphore_mem>>
    %dma_start3A_163 = arith.constant 0 : i32
    %dma_start3A_164 = tpu.memref_slice %arg6[%mul3A_152, %dma_start3A_163] : memref<16384x128xf32, #tpu.memory_space<hbm>> -> memref<128x128xf32, #tpu.memory_space<hbm>>
    %dma_start3A_165 = arith.constant 0 : i32
    %dma_start3A_166 = arith.constant 0 : i32
    %dma_start3A_167 = tpu.memref_slice %arg10[%dma_start3A_153, %dma_start3A_165, %dma_start3A_166] : memref<7x128x128xf32, #tpu.memory_space<vmem>> -> memref<1x128x128xf32, #tpu.memory_space<vmem>>
    %dma_start3A_168 = tpu.memref_squeeze %dma_start3A_167 : memref<1x128x128xf32, #tpu.memory_space<vmem>> -> memref<128x128xf32, #tpu.memory_space<vmem>>
    tpu.enqueue_dma source(%dma_start3A_168 : memref<128x128xf32, #tpu.memory_space<vmem>>) target(%dma_start3A_164 : memref<128x128xf32, #tpu.memory_space<hbm>>) target_semaphore(%dma_start3A_162 : memref<!tpu.dma_semaphore, #tpu.memory_space<semaphore_mem>>)
    %dma_start3A_169 = arith.constant 6 : i32
    %dma_start3A_170 = arith.constant 6 : i32
    %dma_start3A_171 = arith.constant 0 : i32
    %dma_start3A_172 = arith.constant 0 : i32
    %dma_start3A_173 = tpu.memref_slice %arg10[%dma_start3A_169, %dma_start3A_171, %dma_start3A_172] : memref<7x128x128xf32, #tpu.memory_space<vmem>> -> memref<1x128x128xf32, #tpu.memory_space<vmem>>
    %dma_start3A_174 = tpu.memref_squeeze %dma_start3A_173 : memref<1x128x128xf32, #tpu.memory_space<vmem>> -> memref<128x128xf32, #tpu.memory_space<vmem>>
    %dma_start3A_175 = arith.constant 256 : i32
    %dma_start3A_176 = tpu.memref_slice %arg9[%dma_start3A_175] : memref<512xi32, #tpu.memory_space<vmem>> -> memref<128xi32, #tpu.memory_space<vmem>>
    %dma_start3A_177 = arith.constant 0 : i32
    %dma_start3A_178 = arith.constant 0 : i32
    %dma_start3A_179 = tpu.memref_slice %arg5[%dma_start3A_177, %dma_start3A_178] : memref<1000000x128xf32, #tpu.memory_space<hbm>> -> memref<1000000x128xf32, #tpu.memory_space<hbm>>
    %dma_start3A_180 = tpu.memref_slice %arg11[%dma_start3A_170] : memref<7x!tpu.dma_semaphore, #tpu.memory_space<semaphore_mem>> -> memref<1x!tpu.dma_semaphore, #tpu.memory_space<semaphore_mem>>
    %dma_start3A_181 = tpu.memref_squeeze %dma_start3A_180 : memref<1x!tpu.dma_semaphore, #tpu.memory_space<semaphore_mem>> -> memref<!tpu.dma_semaphore, #tpu.memory_space<semaphore_mem>>
    tpu.enqueue_indirect_dma source(%dma_start3A_179 : memref<1000000x128xf32, #tpu.memory_space<hbm>>) target(%dma_start3A_174 : memref<128x128xf32, #tpu.memory_space<vmem>>) offsets(%dma_start3A_176 : memref<128xi32, #tpu.memory_space<vmem>>) semaphore(%dma_start3A_181 : memref<!tpu.dma_semaphore, #tpu.memory_space<semaphore_mem>>)
    %dma_wait3A_182 = arith.constant 2 : i32
    %dma_wait3A_183 = arith.constant 2 : i32
    %dma_wait3A_184 = arith.constant 0 : i32
    %dma_wait3A_185 = arith.constant 0 : i32
    %dma_wait3A_186 = tpu.memref_slice %arg10[%dma_wait3A_182, %dma_wait3A_184, %dma_wait3A_185] : memref<7x128x128xf32, #tpu.memory_space<vmem>> -> memref<1x128x128xf32, #tpu.memory_space<vmem>>
    %dma_wait3A_187 = tpu.memref_squeeze %dma_wait3A_186 : memref<1x128x128xf32, #tpu.memory_space<vmem>> -> memref<128x128xf32, #tpu.memory_space<vmem>>
    %dma_wait3A_188 = arith.constant 256 : i32
    %dma_wait3A_189 = tpu.memref_slice %arg8[%dma_wait3A_188] : memref<512xi32, #tpu.memory_space<vmem>> -> memref<128xi32, #tpu.memory_space<vmem>>
    %dma_wait3A_190 = arith.constant 0 : i32
    %dma_wait3A_191 = arith.constant 0 : i32
    %dma_wait3A_192 = tpu.memref_slice %arg4[%dma_wait3A_190, %dma_wait3A_191] : memref<100000x128xf32, #tpu.memory_space<hbm>> -> memref<100000x128xf32, #tpu.memory_space<hbm>>
    %dma_wait3A_193 = tpu.memref_slice %arg11[%dma_wait3A_183] : memref<7x!tpu.dma_semaphore, #tpu.memory_space<semaphore_mem>> -> memref<1x!tpu.dma_semaphore, #tpu.memory_space<semaphore_mem>>
    %dma_wait3A_194 = tpu.memref_squeeze %dma_wait3A_193 : memref<1x!tpu.dma_semaphore, #tpu.memory_space<semaphore_mem>> -> memref<!tpu.dma_semaphore, #tpu.memory_space<semaphore_mem>>
    tpu.wait_indirect_dma semaphore(%dma_wait3A_194 : memref<!tpu.dma_semaphore, #tpu.memory_space<semaphore_mem>>) src(%dma_wait3A_192 : memref<100000x128xf32, #tpu.memory_space<hbm>>) dst(%dma_wait3A_187 : memref<128x128xf32, #tpu.memory_space<vmem>>)
    %add3A_195 = arith.constant 2 : i32
    %add3A_196 = arith.addi %mul3A_2, %add3A_195 : i32
    %mul3A_197 = arith.constant 128 : i32
    %mul3A_198 = arith.muli %add3A_196, %mul3A_197 : i32
    %dma_start3A_199 = arith.constant 2 : i32
    %dma_start3A_200 = arith.constant 2 : i32
    %dma_start3A_201 = arith.constant 0 : i32
    %dma_start3A_202 = arith.constant 0 : i32
    %dma_start3A_203 = tpu.memref_slice %arg10[%dma_start3A_199, %dma_start3A_201, %dma_start3A_202] : memref<7x128x128xf32, #tpu.memory_space<vmem>> -> memref<1x128x128xf32, #tpu.memory_space<vmem>>
    %dma_start3A_204 = tpu.memref_squeeze %dma_start3A_203 : memref<1x128x128xf32, #tpu.memory_space<vmem>> -> memref<128x128xf32, #tpu.memory_space<vmem>>
    %dma_start3A_205 = arith.constant 0 : i32
    %dma_start3A_206 = tpu.memref_slice %arg6[%mul3A_198, %dma_start3A_205] : memref<16384x128xf32, #tpu.memory_space<hbm>> -> memref<128x128xf32, #tpu.memory_space<hbm>>
    %dma_start3A_207 = tpu.memref_slice %arg12[%dma_start3A_200] : memref<7x!tpu.dma_semaphore, #tpu.memory_space<semaphore_mem>> -> memref<1x!tpu.dma_semaphore, #tpu.memory_space<semaphore_mem>>
    %dma_start3A_208 = tpu.memref_squeeze %dma_start3A_207 : memref<1x!tpu.dma_semaphore, #tpu.memory_space<semaphore_mem>> -> memref<!tpu.dma_semaphore, #tpu.memory_space<semaphore_mem>>
    %dma_start3A_209 = arith.constant 0 : i32
    %dma_start3A_210 = tpu.memref_slice %arg6[%mul3A_198, %dma_start3A_209] : memref<16384x128xf32, #tpu.memory_space<hbm>> -> memref<128x128xf32, #tpu.memory_space<hbm>>
    %dma_start3A_211 = arith.constant 0 : i32
    %dma_start3A_212 = arith.constant 0 : i32
    %dma_start3A_213 = tpu.memref_slice %arg10[%dma_start3A_199, %dma_start3A_211, %dma_start3A_212] : memref<7x128x128xf32, #tpu.memory_space<vmem>> -> memref<1x128x128xf32, #tpu.memory_space<vmem>>
    %dma_start3A_214 = tpu.memref_squeeze %dma_start3A_213 : memref<1x128x128xf32, #tpu.memory_space<vmem>> -> memref<128x128xf32, #tpu.memory_space<vmem>>
    tpu.enqueue_dma source(%dma_start3A_214 : memref<128x128xf32, #tpu.memory_space<vmem>>) target(%dma_start3A_210 : memref<128x128xf32, #tpu.memory_space<hbm>>) target_semaphore(%dma_start3A_208 : memref<!tpu.dma_semaphore, #tpu.memory_space<semaphore_mem>>)
    %dma_wait3A_215 = arith.constant 0 : i32
    %dma_wait3A_216 = arith.constant 0 : i32
    %dma_wait3A_217 = arith.constant 0 : i32
    %dma_wait3A_218 = arith.constant 0 : i32
    %dma_wait3A_219 = tpu.memref_slice %arg10[%dma_wait3A_215, %dma_wait3A_217, %dma_wait3A_218] : memref<7x128x128xf32, #tpu.memory_space<vmem>> -> memref<1x128x128xf32, #tpu.memory_space<vmem>>
    %dma_wait3A_220 = tpu.memref_squeeze %dma_wait3A_219 : memref<1x128x128xf32, #tpu.memory_space<vmem>> -> memref<128x128xf32, #tpu.memory_space<vmem>>
    %dma_wait3A_221 = arith.constant 0 : i32
    %dma_wait3A_222 = tpu.memref_slice %arg6[%mul3A_106, %dma_wait3A_221] : memref<16384x128xf32, #tpu.memory_space<hbm>> -> memref<128x128xf32, #tpu.memory_space<hbm>>
    %dma_wait3A_223 = tpu.memref_slice %arg12[%dma_wait3A_216] : memref<7x!tpu.dma_semaphore, #tpu.memory_space<semaphore_mem>> -> memref<1x!tpu.dma_semaphore, #tpu.memory_space<semaphore_mem>>
    %dma_wait3A_224 = tpu.memref_squeeze %dma_wait3A_223 : memref<1x!tpu.dma_semaphore, #tpu.memory_space<semaphore_mem>> -> memref<!tpu.dma_semaphore, #tpu.memory_space<semaphore_mem>>
    %dma_wait3A_225 = arith.constant 0 : i32
    %dma_wait3A_226 = tpu.memref_slice %arg6[%mul3A_106, %dma_wait3A_225] : memref<16384x128xf32, #tpu.memory_space<hbm>> -> memref<128x128xf32, #tpu.memory_space<hbm>>
    %dma_wait3A_227 = arith.constant 0 : i32
    %dma_wait3A_228 = arith.constant 0 : i32
    %dma_wait3A_229 = tpu.memref_slice %arg10[%dma_wait3A_215, %dma_wait3A_227, %dma_wait3A_228] : memref<7x128x128xf32, #tpu.memory_space<vmem>> -> memref<1x128x128xf32, #tpu.memory_space<vmem>>
    %dma_wait3A_230 = tpu.memref_squeeze %dma_wait3A_229 : memref<1x128x128xf32, #tpu.memory_space<vmem>> -> memref<128x128xf32, #tpu.memory_space<vmem>>
    tpu.wait_dma2 semaphore(%dma_wait3A_224 : memref<!tpu.dma_semaphore, #tpu.memory_space<semaphore_mem>>) src(%dma_wait3A_230 : memref<128x128xf32, #tpu.memory_space<vmem>>) dst(%dma_wait3A_226 : memref<128x128xf32, #tpu.memory_space<hbm>>)
    %dma_start3A_231 = arith.constant 0 : i32
    %dma_start3A_232 = arith.constant 0 : i32
    %dma_start3A_233 = arith.constant 0 : i32
    %dma_start3A_234 = arith.constant 0 : i32
    %dma_start3A_235 = tpu.memref_slice %arg10[%dma_start3A_231, %dma_start3A_233, %dma_start3A_234] : memref<7x128x128xf32, #tpu.memory_space<vmem>> -> memref<1x128x128xf32, #tpu.memory_space<vmem>>
    %dma_start3A_236 = tpu.memref_squeeze %dma_start3A_235 : memref<1x128x128xf32, #tpu.memory_space<vmem>> -> memref<128x128xf32, #tpu.memory_space<vmem>>
    %dma_start3A_237 = arith.constant 384 : i32
    %dma_start3A_238 = tpu.memref_slice %arg9[%dma_start3A_237] : memref<512xi32, #tpu.memory_space<vmem>> -> memref<128xi32, #tpu.memory_space<vmem>>
    %dma_start3A_239 = arith.constant 0 : i32
    %dma_start3A_240 = arith.constant 0 : i32
    %dma_start3A_241 = tpu.memref_slice %arg5[%dma_start3A_239, %dma_start3A_240] : memref<1000000x128xf32, #tpu.memory_space<hbm>> -> memref<1000000x128xf32, #tpu.memory_space<hbm>>
    %dma_start3A_242 = tpu.memref_slice %arg11[%dma_start3A_232] : memref<7x!tpu.dma_semaphore, #tpu.memory_space<semaphore_mem>> -> memref<1x!tpu.dma_semaphore, #tpu.memory_space<semaphore_mem>>
    %dma_start3A_243 = tpu.memref_squeeze %dma_start3A_242 : memref<1x!tpu.dma_semaphore, #tpu.memory_space<semaphore_mem>> -> memref<!tpu.dma_semaphore, #tpu.memory_space<semaphore_mem>>
    tpu.enqueue_indirect_dma source(%dma_start3A_241 : memref<1000000x128xf32, #tpu.memory_space<hbm>>) target(%dma_start3A_236 : memref<128x128xf32, #tpu.memory_space<vmem>>) offsets(%dma_start3A_238 : memref<128xi32, #tpu.memory_space<vmem>>) semaphore(%dma_start3A_243 : memref<!tpu.dma_semaphore, #tpu.memory_space<semaphore_mem>>)
    %dma_wait3A_244 = arith.constant 3 : i32
    %dma_wait3A_245 = arith.constant 3 : i32
    %dma_wait3A_246 = arith.constant 0 : i32
    %dma_wait3A_247 = arith.constant 0 : i32
    %dma_wait3A_248 = tpu.memref_slice %arg10[%dma_wait3A_244, %dma_wait3A_246, %dma_wait3A_247] : memref<7x128x128xf32, #tpu.memory_space<vmem>> -> memref<1x128x128xf32, #tpu.memory_space<vmem>>
    %dma_wait3A_249 = tpu.memref_squeeze %dma_wait3A_248 : memref<1x128x128xf32, #tpu.memory_space<vmem>> -> memref<128x128xf32, #tpu.memory_space<vmem>>
    %dma_wait3A_250 = arith.constant 384 : i32
    %dma_wait3A_251 = tpu.memref_slice %arg8[%dma_wait3A_250] : memref<512xi32, #tpu.memory_space<vmem>> -> memref<128xi32, #tpu.memory_space<vmem>>
    %dma_wait3A_252 = arith.constant 0 : i32
    %dma_wait3A_253 = arith.constant 0 : i32
    %dma_wait3A_254 = tpu.memref_slice %arg4[%dma_wait3A_252, %dma_wait3A_253] : memref<100000x128xf32, #tpu.memory_space<hbm>> -> memref<100000x128xf32, #tpu.memory_space<hbm>>
    %dma_wait3A_255 = tpu.memref_slice %arg11[%dma_wait3A_245] : memref<7x!tpu.dma_semaphore, #tpu.memory_space<semaphore_mem>> -> memref<1x!tpu.dma_semaphore, #tpu.memory_space<semaphore_mem>>
    %dma_wait3A_256 = tpu.memref_squeeze %dma_wait3A_255 : memref<1x!tpu.dma_semaphore, #tpu.memory_space<semaphore_mem>> -> memref<!tpu.dma_semaphore, #tpu.memory_space<semaphore_mem>>
    tpu.wait_indirect_dma semaphore(%dma_wait3A_256 : memref<!tpu.dma_semaphore, #tpu.memory_space<semaphore_mem>>) src(%dma_wait3A_254 : memref<100000x128xf32, #tpu.memory_space<hbm>>) dst(%dma_wait3A_249 : memref<128x128xf32, #tpu.memory_space<vmem>>)
    %add3A_257 = arith.constant 3 : i32
    %add3A_258 = arith.addi %mul3A_2, %add3A_257 : i32
    %mul3A_259 = arith.constant 128 : i32
    %mul3A_260 = arith.muli %add3A_258, %mul3A_259 : i32
    %dma_start3A_261 = arith.constant 3 : i32
    %dma_start3A_262 = arith.constant 3 : i32
    %dma_start3A_263 = arith.constant 0 : i32
    %dma_start3A_264 = arith.constant 0 : i32
    %dma_start3A_265 = tpu.memref_slice %arg10[%dma_start3A_261, %dma_start3A_263, %dma_start3A_264] : memref<7x128x128xf32, #tpu.memory_space<vmem>> -> memref<1x128x128xf32, #tpu.memory_space<vmem>>
    %dma_start3A_266 = tpu.memref_squeeze %dma_start3A_265 : memref<1x128x128xf32, #tpu.memory_space<vmem>> -> memref<128x128xf32, #tpu.memory_space<vmem>>
    %dma_start3A_267 = arith.constant 0 : i32
    %dma_start3A_268 = tpu.memref_slice %arg6[%mul3A_260, %dma_start3A_267] : memref<16384x128xf32, #tpu.memory_space<hbm>> -> memref<128x128xf32, #tpu.memory_space<hbm>>
    %dma_start3A_269 = tpu.memref_slice %arg12[%dma_start3A_262] : memref<7x!tpu.dma_semaphore, #tpu.memory_space<semaphore_mem>> -> memref<1x!tpu.dma_semaphore, #tpu.memory_space<semaphore_mem>>
    %dma_start3A_270 = tpu.memref_squeeze %dma_start3A_269 : memref<1x!tpu.dma_semaphore, #tpu.memory_space<semaphore_mem>> -> memref<!tpu.dma_semaphore, #tpu.memory_space<semaphore_mem>>
    %dma_start3A_271 = arith.constant 0 : i32
    %dma_start3A_272 = tpu.memref_slice %arg6[%mul3A_260, %dma_start3A_271] : memref<16384x128xf32, #tpu.memory_space<hbm>> -> memref<128x128xf32, #tpu.memory_space<hbm>>
    %dma_start3A_273 = arith.constant 0 : i32
    %dma_start3A_274 = arith.constant 0 : i32
    %dma_start3A_275 = tpu.memref_slice %arg10[%dma_start3A_261, %dma_start3A_273, %dma_start3A_274] : memref<7x128x128xf32, #tpu.memory_space<vmem>> -> memref<1x128x128xf32, #tpu.memory_space<vmem>>
    %dma_start3A_276 = tpu.memref_squeeze %dma_start3A_275 : memref<1x128x128xf32, #tpu.memory_space<vmem>> -> memref<128x128xf32, #tpu.memory_space<vmem>>
    tpu.enqueue_dma source(%dma_start3A_276 : memref<128x128xf32, #tpu.memory_space<vmem>>) target(%dma_start3A_272 : memref<128x128xf32, #tpu.memory_space<hbm>>) target_semaphore(%dma_start3A_270 : memref<!tpu.dma_semaphore, #tpu.memory_space<semaphore_mem>>)
    %dma_wait3A_277 = arith.constant 4 : i32
    %dma_wait3A_278 = arith.constant 4 : i32
    %dma_wait3A_279 = arith.constant 0 : i32
    %dma_wait3A_280 = arith.constant 0 : i32
    %dma_wait3A_281 = tpu.memref_slice %arg10[%dma_wait3A_277, %dma_wait3A_279, %dma_wait3A_280] : memref<7x128x128xf32, #tpu.memory_space<vmem>> -> memref<1x128x128xf32, #tpu.memory_space<vmem>>
    %dma_wait3A_282 = tpu.memref_squeeze %dma_wait3A_281 : memref<1x128x128xf32, #tpu.memory_space<vmem>> -> memref<128x128xf32, #tpu.memory_space<vmem>>
    %dma_wait3A_283 = arith.constant 0 : i32
    %dma_wait3A_284 = tpu.memref_slice %arg9[%dma_wait3A_283] : memref<512xi32, #tpu.memory_space<vmem>> -> memref<128xi32, #tpu.memory_space<vmem>>
    %dma_wait3A_285 = arith.constant 0 : i32
    %dma_wait3A_286 = arith.constant 0 : i32
    %dma_wait3A_287 = tpu.memref_slice %arg5[%dma_wait3A_285, %dma_wait3A_286] : memref<1000000x128xf32, #tpu.memory_space<hbm>> -> memref<1000000x128xf32, #tpu.memory_space<hbm>>
    %dma_wait3A_288 = tpu.memref_slice %arg11[%dma_wait3A_278] : memref<7x!tpu.dma_semaphore, #tpu.memory_space<semaphore_mem>> -> memref<1x!tpu.dma_semaphore, #tpu.memory_space<semaphore_mem>>
    %dma_wait3A_289 = tpu.memref_squeeze %dma_wait3A_288 : memref<1x!tpu.dma_semaphore, #tpu.memory_space<semaphore_mem>> -> memref<!tpu.dma_semaphore, #tpu.memory_space<semaphore_mem>>
    tpu.wait_indirect_dma semaphore(%dma_wait3A_289 : memref<!tpu.dma_semaphore, #tpu.memory_space<semaphore_mem>>) src(%dma_wait3A_287 : memref<1000000x128xf32, #tpu.memory_space<hbm>>) dst(%dma_wait3A_282 : memref<128x128xf32, #tpu.memory_space<vmem>>)
    %add3A_290 = arith.constant 0 : i32
    %add3A_291 = arith.addi %mul3A_2, %add3A_290 : i32
    %mul3A_292 = arith.constant 128 : i32
    %mul3A_293 = arith.muli %add3A_291, %mul3A_292 : i32
    %dma_start3A_294 = arith.constant 4 : i32
    %dma_start3A_295 = arith.constant 4 : i32
    %dma_start3A_296 = arith.constant 0 : i32
    %dma_start3A_297 = arith.constant 0 : i32
    %dma_start3A_298 = tpu.memref_slice %arg10[%dma_start3A_294, %dma_start3A_296, %dma_start3A_297] : memref<7x128x128xf32, #tpu.memory_space<vmem>> -> memref<1x128x128xf32, #tpu.memory_space<vmem>>
    %dma_start3A_299 = tpu.memref_squeeze %dma_start3A_298 : memref<1x128x128xf32, #tpu.memory_space<vmem>> -> memref<128x128xf32, #tpu.memory_space<vmem>>
    %dma_start3A_300 = arith.constant 0 : i32
    %dma_start3A_301 = tpu.memref_slice %arg7[%mul3A_293, %dma_start3A_300] : memref<16384x128xf32, #tpu.memory_space<hbm>> -> memref<128x128xf32, #tpu.memory_space<hbm>>
    %dma_start3A_302 = tpu.memref_slice %arg12[%dma_start3A_295] : memref<7x!tpu.dma_semaphore, #tpu.memory_space<semaphore_mem>> -> memref<1x!tpu.dma_semaphore, #tpu.memory_space<semaphore_mem>>
    %dma_start3A_303 = tpu.memref_squeeze %dma_start3A_302 : memref<1x!tpu.dma_semaphore, #tpu.memory_space<semaphore_mem>> -> memref<!tpu.dma_semaphore, #tpu.memory_space<semaphore_mem>>
    %dma_start3A_304 = arith.constant 0 : i32
    %dma_start3A_305 = tpu.memref_slice %arg7[%mul3A_293, %dma_start3A_304] : memref<16384x128xf32, #tpu.memory_space<hbm>> -> memref<128x128xf32, #tpu.memory_space<hbm>>
    %dma_start3A_306 = arith.constant 0 : i32
    %dma_start3A_307 = arith.constant 0 : i32
    %dma_start3A_308 = tpu.memref_slice %arg10[%dma_start3A_294, %dma_start3A_306, %dma_start3A_307] : memref<7x128x128xf32, #tpu.memory_space<vmem>> -> memref<1x128x128xf32, #tpu.memory_space<vmem>>
    %dma_start3A_309 = tpu.memref_squeeze %dma_start3A_308 : memref<1x128x128xf32, #tpu.memory_space<vmem>> -> memref<128x128xf32, #tpu.memory_space<vmem>>
    tpu.enqueue_dma source(%dma_start3A_309 : memref<128x128xf32, #tpu.memory_space<vmem>>) target(%dma_start3A_305 : memref<128x128xf32, #tpu.memory_space<hbm>>) target_semaphore(%dma_start3A_303 : memref<!tpu.dma_semaphore, #tpu.memory_space<semaphore_mem>>)
    %dma_wait3A_310 = arith.constant 5 : i32
    %dma_wait3A_311 = arith.constant 5 : i32
    %dma_wait3A_312 = arith.constant 0 : i32
    %dma_wait3A_313 = arith.constant 0 : i32
    %dma_wait3A_314 = tpu.memref_slice %arg10[%dma_wait3A_310, %dma_wait3A_312, %dma_wait3A_313] : memref<7x128x128xf32, #tpu.memory_space<vmem>> -> memref<1x128x128xf32, #tpu.memory_space<vmem>>
    %dma_wait3A_315 = tpu.memref_squeeze %dma_wait3A_314 : memref<1x128x128xf32, #tpu.memory_space<vmem>> -> memref<128x128xf32, #tpu.memory_space<vmem>>
    %dma_wait3A_316 = arith.constant 128 : i32
    %dma_wait3A_317 = tpu.memref_slice %arg9[%dma_wait3A_316] : memref<512xi32, #tpu.memory_space<vmem>> -> memref<128xi32, #tpu.memory_space<vmem>>
    %dma_wait3A_318 = arith.constant 0 : i32
    %dma_wait3A_319 = arith.constant 0 : i32
    %dma_wait3A_320 = tpu.memref_slice %arg5[%dma_wait3A_318, %dma_wait3A_319] : memref<1000000x128xf32, #tpu.memory_space<hbm>> -> memref<1000000x128xf32, #tpu.memory_space<hbm>>
    %dma_wait3A_321 = tpu.memref_slice %arg11[%dma_wait3A_311] : memref<7x!tpu.dma_semaphore, #tpu.memory_space<semaphore_mem>> -> memref<1x!tpu.dma_semaphore, #tpu.memory_space<semaphore_mem>>
    %dma_wait3A_322 = tpu.memref_squeeze %dma_wait3A_321 : memref<1x!tpu.dma_semaphore, #tpu.memory_space<semaphore_mem>> -> memref<!tpu.dma_semaphore, #tpu.memory_space<semaphore_mem>>
    tpu.wait_indirect_dma semaphore(%dma_wait3A_322 : memref<!tpu.dma_semaphore, #tpu.memory_space<semaphore_mem>>) src(%dma_wait3A_320 : memref<1000000x128xf32, #tpu.memory_space<hbm>>) dst(%dma_wait3A_315 : memref<128x128xf32, #tpu.memory_space<vmem>>)
    %add3A_323 = arith.constant 1 : i32
    %add3A_324 = arith.addi %mul3A_2, %add3A_323 : i32
    %mul3A_325 = arith.constant 128 : i32
    %mul3A_326 = arith.muli %add3A_324, %mul3A_325 : i32
    %dma_start3A_327 = arith.constant 5 : i32
    %dma_start3A_328 = arith.constant 5 : i32
    %dma_start3A_329 = arith.constant 0 : i32
    %dma_start3A_330 = arith.constant 0 : i32
    %dma_start3A_331 = tpu.memref_slice %arg10[%dma_start3A_327, %dma_start3A_329, %dma_start3A_330] : memref<7x128x128xf32, #tpu.memory_space<vmem>> -> memref<1x128x128xf32, #tpu.memory_space<vmem>>
    %dma_start3A_332 = tpu.memref_squeeze %dma_start3A_331 : memref<1x128x128xf32, #tpu.memory_space<vmem>> -> memref<128x128xf32, #tpu.memory_space<vmem>>
    %dma_start3A_333 = arith.constant 0 : i32
    %dma_start3A_334 = tpu.memref_slice %arg7[%mul3A_326, %dma_start3A_333] : memref<16384x128xf32, #tpu.memory_space<hbm>> -> memref<128x128xf32, #tpu.memory_space<hbm>>
    %dma_start3A_335 = tpu.memref_slice %arg12[%dma_start3A_328] : memref<7x!tpu.dma_semaphore, #tpu.memory_space<semaphore_mem>> -> memref<1x!tpu.dma_semaphore, #tpu.memory_space<semaphore_mem>>
    %dma_start3A_336 = tpu.memref_squeeze %dma_start3A_335 : memref<1x!tpu.dma_semaphore, #tpu.memory_space<semaphore_mem>> -> memref<!tpu.dma_semaphore, #tpu.memory_space<semaphore_mem>>
    %dma_start3A_337 = arith.constant 0 : i32
    %dma_start3A_338 = tpu.memref_slice %arg7[%mul3A_326, %dma_start3A_337] : memref<16384x128xf32, #tpu.memory_space<hbm>> -> memref<128x128xf32, #tpu.memory_space<hbm>>
    %dma_start3A_339 = arith.constant 0 : i32
    %dma_start3A_340 = arith.constant 0 : i32
    %dma_start3A_341 = tpu.memref_slice %arg10[%dma_start3A_327, %dma_start3A_339, %dma_start3A_340] : memref<7x128x128xf32, #tpu.memory_space<vmem>> -> memref<1x128x128xf32, #tpu.memory_space<vmem>>
    %dma_start3A_342 = tpu.memref_squeeze %dma_start3A_341 : memref<1x128x128xf32, #tpu.memory_space<vmem>> -> memref<128x128xf32, #tpu.memory_space<vmem>>
    tpu.enqueue_dma source(%dma_start3A_342 : memref<128x128xf32, #tpu.memory_space<vmem>>) target(%dma_start3A_338 : memref<128x128xf32, #tpu.memory_space<hbm>>) target_semaphore(%dma_start3A_336 : memref<!tpu.dma_semaphore, #tpu.memory_space<semaphore_mem>>)
    %dma_wait3A_343 = arith.constant 6 : i32
    %dma_wait3A_344 = arith.constant 6 : i32
    %dma_wait3A_345 = arith.constant 0 : i32
    %dma_wait3A_346 = arith.constant 0 : i32
    %dma_wait3A_347 = tpu.memref_slice %arg10[%dma_wait3A_343, %dma_wait3A_345, %dma_wait3A_346] : memref<7x128x128xf32, #tpu.memory_space<vmem>> -> memref<1x128x128xf32, #tpu.memory_space<vmem>>
    %dma_wait3A_348 = tpu.memref_squeeze %dma_wait3A_347 : memref<1x128x128xf32, #tpu.memory_space<vmem>> -> memref<128x128xf32, #tpu.memory_space<vmem>>
    %dma_wait3A_349 = arith.constant 256 : i32
    %dma_wait3A_350 = tpu.memref_slice %arg9[%dma_wait3A_349] : memref<512xi32, #tpu.memory_space<vmem>> -> memref<128xi32, #tpu.memory_space<vmem>>
    %dma_wait3A_351 = arith.constant 0 : i32
    %dma_wait3A_352 = arith.constant 0 : i32
    %dma_wait3A_353 = tpu.memref_slice %arg5[%dma_wait3A_351, %dma_wait3A_352] : memref<1000000x128xf32, #tpu.memory_space<hbm>> -> memref<1000000x128xf32, #tpu.memory_space<hbm>>
    %dma_wait3A_354 = tpu.memref_slice %arg11[%dma_wait3A_344] : memref<7x!tpu.dma_semaphore, #tpu.memory_space<semaphore_mem>> -> memref<1x!tpu.dma_semaphore, #tpu.memory_space<semaphore_mem>>
    %dma_wait3A_355 = tpu.memref_squeeze %dma_wait3A_354 : memref<1x!tpu.dma_semaphore, #tpu.memory_space<semaphore_mem>> -> memref<!tpu.dma_semaphore, #tpu.memory_space<semaphore_mem>>
    tpu.wait_indirect_dma semaphore(%dma_wait3A_355 : memref<!tpu.dma_semaphore, #tpu.memory_space<semaphore_mem>>) src(%dma_wait3A_353 : memref<1000000x128xf32, #tpu.memory_space<hbm>>) dst(%dma_wait3A_348 : memref<128x128xf32, #tpu.memory_space<vmem>>)
    %add3A_356 = arith.constant 2 : i32
    %add3A_357 = arith.addi %mul3A_2, %add3A_356 : i32
    %mul3A_358 = arith.constant 128 : i32
    %mul3A_359 = arith.muli %add3A_357, %mul3A_358 : i32
    %dma_start3A_360 = arith.constant 6 : i32
    %dma_start3A_361 = arith.constant 6 : i32
    %dma_start3A_362 = arith.constant 0 : i32
    %dma_start3A_363 = arith.constant 0 : i32
    %dma_start3A_364 = tpu.memref_slice %arg10[%dma_start3A_360, %dma_start3A_362, %dma_start3A_363] : memref<7x128x128xf32, #tpu.memory_space<vmem>> -> memref<1x128x128xf32, #tpu.memory_space<vmem>>
    %dma_start3A_365 = tpu.memref_squeeze %dma_start3A_364 : memref<1x128x128xf32, #tpu.memory_space<vmem>> -> memref<128x128xf32, #tpu.memory_space<vmem>>
    %dma_start3A_366 = arith.constant 0 : i32
    %dma_start3A_367 = tpu.memref_slice %arg7[%mul3A_359, %dma_start3A_366] : memref<16384x128xf32, #tpu.memory_space<hbm>> -> memref<128x128xf32, #tpu.memory_space<hbm>>
    %dma_start3A_368 = tpu.memref_slice %arg12[%dma_start3A_361] : memref<7x!tpu.dma_semaphore, #tpu.memory_space<semaphore_mem>> -> memref<1x!tpu.dma_semaphore, #tpu.memory_space<semaphore_mem>>
    %dma_start3A_369 = tpu.memref_squeeze %dma_start3A_368 : memref<1x!tpu.dma_semaphore, #tpu.memory_space<semaphore_mem>> -> memref<!tpu.dma_semaphore, #tpu.memory_space<semaphore_mem>>
    %dma_start3A_370 = arith.constant 0 : i32
    %dma_start3A_371 = tpu.memref_slice %arg7[%mul3A_359, %dma_start3A_370] : memref<16384x128xf32, #tpu.memory_space<hbm>> -> memref<128x128xf32, #tpu.memory_space<hbm>>
    %dma_start3A_372 = arith.constant 0 : i32
    %dma_start3A_373 = arith.constant 0 : i32
    %dma_start3A_374 = tpu.memref_slice %arg10[%dma_start3A_360, %dma_start3A_372, %dma_start3A_373] : memref<7x128x128xf32, #tpu.memory_space<vmem>> -> memref<1x128x128xf32, #tpu.memory_space<vmem>>
    %dma_start3A_375 = tpu.memref_squeeze %dma_start3A_374 : memref<1x128x128xf32, #tpu.memory_space<vmem>> -> memref<128x128xf32, #tpu.memory_space<vmem>>
    tpu.enqueue_dma source(%dma_start3A_375 : memref<128x128xf32, #tpu.memory_space<vmem>>) target(%dma_start3A_371 : memref<128x128xf32, #tpu.memory_space<hbm>>) target_semaphore(%dma_start3A_369 : memref<!tpu.dma_semaphore, #tpu.memory_space<semaphore_mem>>)
    %dma_wait3A_376 = arith.constant 0 : i32
    %dma_wait3A_377 = arith.constant 0 : i32
    %dma_wait3A_378 = arith.constant 0 : i32
    %dma_wait3A_379 = arith.constant 0 : i32
    %dma_wait3A_380 = tpu.memref_slice %arg10[%dma_wait3A_376, %dma_wait3A_378, %dma_wait3A_379] : memref<7x128x128xf32, #tpu.memory_space<vmem>> -> memref<1x128x128xf32, #tpu.memory_space<vmem>>
    %dma_wait3A_381 = tpu.memref_squeeze %dma_wait3A_380 : memref<1x128x128xf32, #tpu.memory_space<vmem>> -> memref<128x128xf32, #tpu.memory_space<vmem>>
    %dma_wait3A_382 = arith.constant 384 : i32
    %dma_wait3A_383 = tpu.memref_slice %arg9[%dma_wait3A_382] : memref<512xi32, #tpu.memory_space<vmem>> -> memref<128xi32, #tpu.memory_space<vmem>>
    %dma_wait3A_384 = arith.constant 0 : i32
    %dma_wait3A_385 = arith.constant 0 : i32
    %dma_wait3A_386 = tpu.memref_slice %arg5[%dma_wait3A_384, %dma_wait3A_385] : memref<1000000x128xf32, #tpu.memory_space<hbm>> -> memref<1000000x128xf32, #tpu.memory_space<hbm>>
    %dma_wait3A_387 = tpu.memref_slice %arg11[%dma_wait3A_377] : memref<7x!tpu.dma_semaphore, #tpu.memory_space<semaphore_mem>> -> memref<1x!tpu.dma_semaphore, #tpu.memory_space<semaphore_mem>>
    %dma_wait3A_388 = tpu.memref_squeeze %dma_wait3A_387 : memref<1x!tpu.dma_semaphore, #tpu.memory_space<semaphore_mem>> -> memref<!tpu.dma_semaphore, #tpu.memory_space<semaphore_mem>>
    tpu.wait_indirect_dma semaphore(%dma_wait3A_388 : memref<!tpu.dma_semaphore, #tpu.memory_space<semaphore_mem>>) src(%dma_wait3A_386 : memref<1000000x128xf32, #tpu.memory_space<hbm>>) dst(%dma_wait3A_381 : memref<128x128xf32, #tpu.memory_space<vmem>>)
    %add3A_389 = arith.constant 3 : i32
    %add3A_390 = arith.addi %mul3A_2, %add3A_389 : i32
    %mul3A_391 = arith.constant 128 : i32
    %mul3A_392 = arith.muli %add3A_390, %mul3A_391 : i32
    %dma_start3A_393 = arith.constant 0 : i32
    %dma_start3A_394 = arith.constant 0 : i32
    %dma_start3A_395 = arith.constant 0 : i32
    %dma_start3A_396 = arith.constant 0 : i32
    %dma_start3A_397 = tpu.memref_slice %arg10[%dma_start3A_393, %dma_start3A_395, %dma_start3A_396] : memref<7x128x128xf32, #tpu.memory_space<vmem>> -> memref<1x128x128xf32, #tpu.memory_space<vmem>>
    %dma_start3A_398 = tpu.memref_squeeze %dma_start3A_397 : memref<1x128x128xf32, #tpu.memory_space<vmem>> -> memref<128x128xf32, #tpu.memory_space<vmem>>
    %dma_start3A_399 = arith.constant 0 : i32
    %dma_start3A_400 = tpu.memref_slice %arg7[%mul3A_392, %dma_start3A_399] : memref<16384x128xf32, #tpu.memory_space<hbm>> -> memref<128x128xf32, #tpu.memory_space<hbm>>
    %dma_start3A_401 = tpu.memref_slice %arg12[%dma_start3A_394] : memref<7x!tpu.dma_semaphore, #tpu.memory_space<semaphore_mem>> -> memref<1x!tpu.dma_semaphore, #tpu.memory_space<semaphore_mem>>
    %dma_start3A_402 = tpu.memref_squeeze %dma_start3A_401 : memref<1x!tpu.dma_semaphore, #tpu.memory_space<semaphore_mem>> -> memref<!tpu.dma_semaphore, #tpu.memory_space<semaphore_mem>>
    %dma_start3A_403 = arith.constant 0 : i32
    %dma_start3A_404 = tpu.memref_slice %arg7[%mul3A_392, %dma_start3A_403] : memref<16384x128xf32, #tpu.memory_space<hbm>> -> memref<128x128xf32, #tpu.memory_space<hbm>>
    %dma_start3A_405 = arith.constant 0 : i32
    %dma_start3A_406 = arith.constant 0 : i32
    %dma_start3A_407 = tpu.memref_slice %arg10[%dma_start3A_393, %dma_start3A_405, %dma_start3A_406] : memref<7x128x128xf32, #tpu.memory_space<vmem>> -> memref<1x128x128xf32, #tpu.memory_space<vmem>>
    %dma_start3A_408 = tpu.memref_squeeze %dma_start3A_407 : memref<1x128x128xf32, #tpu.memory_space<vmem>> -> memref<128x128xf32, #tpu.memory_space<vmem>>
    tpu.enqueue_dma source(%dma_start3A_408 : memref<128x128xf32, #tpu.memory_space<vmem>>) target(%dma_start3A_404 : memref<128x128xf32, #tpu.memory_space<hbm>>) target_semaphore(%dma_start3A_402 : memref<!tpu.dma_semaphore, #tpu.memory_space<semaphore_mem>>)
    %dma_wait3A_409 = arith.constant 1 : i32
    %dma_wait3A_410 = arith.constant 1 : i32
    %dma_wait3A_411 = arith.constant 0 : i32
    %dma_wait3A_412 = arith.constant 0 : i32
    %dma_wait3A_413 = tpu.memref_slice %arg10[%dma_wait3A_409, %dma_wait3A_411, %dma_wait3A_412] : memref<7x128x128xf32, #tpu.memory_space<vmem>> -> memref<1x128x128xf32, #tpu.memory_space<vmem>>
    %dma_wait3A_414 = tpu.memref_squeeze %dma_wait3A_413 : memref<1x128x128xf32, #tpu.memory_space<vmem>> -> memref<128x128xf32, #tpu.memory_space<vmem>>
    %dma_wait3A_415 = arith.constant 0 : i32
    %dma_wait3A_416 = tpu.memref_slice %arg6[%mul3A_152, %dma_wait3A_415] : memref<16384x128xf32, #tpu.memory_space<hbm>> -> memref<128x128xf32, #tpu.memory_space<hbm>>
    %dma_wait3A_417 = tpu.memref_slice %arg12[%dma_wait3A_410] : memref<7x!tpu.dma_semaphore, #tpu.memory_space<semaphore_mem>> -> memref<1x!tpu.dma_semaphore, #tpu.memory_space<semaphore_mem>>
    %dma_wait3A_418 = tpu.memref_squeeze %dma_wait3A_417 : memref<1x!tpu.dma_semaphore, #tpu.memory_space<semaphore_mem>> -> memref<!tpu.dma_semaphore, #tpu.memory_space<semaphore_mem>>
    %dma_wait3A_419 = arith.constant 0 : i32
    %dma_wait3A_420 = tpu.memref_slice %arg6[%mul3A_152, %dma_wait3A_419] : memref<16384x128xf32, #tpu.memory_space<hbm>> -> memref<128x128xf32, #tpu.memory_space<hbm>>
    %dma_wait3A_421 = arith.constant 0 : i32
    %dma_wait3A_422 = arith.constant 0 : i32
    %dma_wait3A_423 = tpu.memref_slice %arg10[%dma_wait3A_409, %dma_wait3A_421, %dma_wait3A_422] : memref<7x128x128xf32, #tpu.memory_space<vmem>> -> memref<1x128x128xf32, #tpu.memory_space<vmem>>
    %dma_wait3A_424 = tpu.memref_squeeze %dma_wait3A_423 : memref<1x128x128xf32, #tpu.memory_space<vmem>> -> memref<128x128xf32, #tpu.memory_space<vmem>>
    tpu.wait_dma2 semaphore(%dma_wait3A_418 : memref<!tpu.dma_semaphore, #tpu.memory_space<semaphore_mem>>) src(%dma_wait3A_424 : memref<128x128xf32, #tpu.memory_space<vmem>>) dst(%dma_wait3A_420 : memref<128x128xf32, #tpu.memory_space<hbm>>)
    %dma_wait3A_425 = arith.constant 2 : i32
    %dma_wait3A_426 = arith.constant 2 : i32
    %dma_wait3A_427 = arith.constant 0 : i32
    %dma_wait3A_428 = arith.constant 0 : i32
    %dma_wait3A_429 = tpu.memref_slice %arg10[%dma_wait3A_425, %dma_wait3A_427, %dma_wait3A_428] : memref<7x128x128xf32, #tpu.memory_space<vmem>> -> memref<1x128x128xf32, #tpu.memory_space<vmem>>
    %dma_wait3A_430 = tpu.memref_squeeze %dma_wait3A_429 : memref<1x128x128xf32, #tpu.memory_space<vmem>> -> memref<128x128xf32, #tpu.memory_space<vmem>>
    %dma_wait3A_431 = arith.constant 0 : i32
    %dma_wait3A_432 = tpu.memref_slice %arg6[%mul3A_198, %dma_wait3A_431] : memref<16384x128xf32, #tpu.memory_space<hbm>> -> memref<128x128xf32, #tpu.memory_space<hbm>>
    %dma_wait3A_433 = tpu.memref_slice %arg12[%dma_wait3A_426] : memref<7x!tpu.dma_semaphore, #tpu.memory_space<semaphore_mem>> -> memref<1x!tpu.dma_semaphore, #tpu.memory_space<semaphore_mem>>
    %dma_wait3A_434 = tpu.memref_squeeze %dma_wait3A_433 : memref<1x!tpu.dma_semaphore, #tpu.memory_space<semaphore_mem>> -> memref<!tpu.dma_semaphore, #tpu.memory_space<semaphore_mem>>
    %dma_wait3A_435 = arith.constant 0 : i32
    %dma_wait3A_436 = tpu.memref_slice %arg6[%mul3A_198, %dma_wait3A_435] : memref<16384x128xf32, #tpu.memory_space<hbm>> -> memref<128x128xf32, #tpu.memory_space<hbm>>
    %dma_wait3A_437 = arith.constant 0 : i32
    %dma_wait3A_438 = arith.constant 0 : i32
    %dma_wait3A_439 = tpu.memref_slice %arg10[%dma_wait3A_425, %dma_wait3A_437, %dma_wait3A_438] : memref<7x128x128xf32, #tpu.memory_space<vmem>> -> memref<1x128x128xf32, #tpu.memory_space<vmem>>
    %dma_wait3A_440 = tpu.memref_squeeze %dma_wait3A_439 : memref<1x128x128xf32, #tpu.memory_space<vmem>> -> memref<128x128xf32, #tpu.memory_space<vmem>>
    tpu.wait_dma2 semaphore(%dma_wait3A_434 : memref<!tpu.dma_semaphore, #tpu.memory_space<semaphore_mem>>) src(%dma_wait3A_440 : memref<128x128xf32, #tpu.memory_space<vmem>>) dst(%dma_wait3A_436 : memref<128x128xf32, #tpu.memory_space<hbm>>)
    %dma_wait3A_441 = arith.constant 3 : i32
    %dma_wait3A_442 = arith.constant 3 : i32
    %dma_wait3A_443 = arith.constant 0 : i32
    %dma_wait3A_444 = arith.constant 0 : i32
    %dma_wait3A_445 = tpu.memref_slice %arg10[%dma_wait3A_441, %dma_wait3A_443, %dma_wait3A_444] : memref<7x128x128xf32, #tpu.memory_space<vmem>> -> memref<1x128x128xf32, #tpu.memory_space<vmem>>
    %dma_wait3A_446 = tpu.memref_squeeze %dma_wait3A_445 : memref<1x128x128xf32, #tpu.memory_space<vmem>> -> memref<128x128xf32, #tpu.memory_space<vmem>>
    %dma_wait3A_447 = arith.constant 0 : i32
    %dma_wait3A_448 = tpu.memref_slice %arg6[%mul3A_260, %dma_wait3A_447] : memref<16384x128xf32, #tpu.memory_space<hbm>> -> memref<128x128xf32, #tpu.memory_space<hbm>>
    %dma_wait3A_449 = tpu.memref_slice %arg12[%dma_wait3A_442] : memref<7x!tpu.dma_semaphore, #tpu.memory_space<semaphore_mem>> -> memref<1x!tpu.dma_semaphore, #tpu.memory_space<semaphore_mem>>
    %dma_wait3A_450 = tpu.memref_squeeze %dma_wait3A_449 : memref<1x!tpu.dma_semaphore, #tpu.memory_space<semaphore_mem>> -> memref<!tpu.dma_semaphore, #tpu.memory_space<semaphore_mem>>
    %dma_wait3A_451 = arith.constant 0 : i32
    %dma_wait3A_452 = tpu.memref_slice %arg6[%mul3A_260, %dma_wait3A_451] : memref<16384x128xf32, #tpu.memory_space<hbm>> -> memref<128x128xf32, #tpu.memory_space<hbm>>
    %dma_wait3A_453 = arith.constant 0 : i32
    %dma_wait3A_454 = arith.constant 0 : i32
    %dma_wait3A_455 = tpu.memref_slice %arg10[%dma_wait3A_441, %dma_wait3A_453, %dma_wait3A_454] : memref<7x128x128xf32, #tpu.memory_space<vmem>> -> memref<1x128x128xf32, #tpu.memory_space<vmem>>
    %dma_wait3A_456 = tpu.memref_squeeze %dma_wait3A_455 : memref<1x128x128xf32, #tpu.memory_space<vmem>> -> memref<128x128xf32, #tpu.memory_space<vmem>>
    tpu.wait_dma2 semaphore(%dma_wait3A_450 : memref<!tpu.dma_semaphore, #tpu.memory_space<semaphore_mem>>) src(%dma_wait3A_456 : memref<128x128xf32, #tpu.memory_space<vmem>>) dst(%dma_wait3A_452 : memref<128x128xf32, #tpu.memory_space<hbm>>)
    %dma_wait3A_457 = arith.constant 4 : i32
    %dma_wait3A_458 = arith.constant 4 : i32
    %dma_wait3A_459 = arith.constant 0 : i32
    %dma_wait3A_460 = arith.constant 0 : i32
    %dma_wait3A_461 = tpu.memref_slice %arg10[%dma_wait3A_457, %dma_wait3A_459, %dma_wait3A_460] : memref<7x128x128xf32, #tpu.memory_space<vmem>> -> memref<1x128x128xf32, #tpu.memory_space<vmem>>
    %dma_wait3A_462 = tpu.memref_squeeze %dma_wait3A_461 : memref<1x128x128xf32, #tpu.memory_space<vmem>> -> memref<128x128xf32, #tpu.memory_space<vmem>>
    %dma_wait3A_463 = arith.constant 0 : i32
    %dma_wait3A_464 = tpu.memref_slice %arg7[%mul3A_293, %dma_wait3A_463] : memref<16384x128xf32, #tpu.memory_space<hbm>> -> memref<128x128xf32, #tpu.memory_space<hbm>>
    %dma_wait3A_465 = tpu.memref_slice %arg12[%dma_wait3A_458] : memref<7x!tpu.dma_semaphore, #tpu.memory_space<semaphore_mem>> -> memref<1x!tpu.dma_semaphore, #tpu.memory_space<semaphore_mem>>
    %dma_wait3A_466 = tpu.memref_squeeze %dma_wait3A_465 : memref<1x!tpu.dma_semaphore, #tpu.memory_space<semaphore_mem>> -> memref<!tpu.dma_semaphore, #tpu.memory_space<semaphore_mem>>
    %dma_wait3A_467 = arith.constant 0 : i32
    %dma_wait3A_468 = tpu.memref_slice %arg7[%mul3A_293, %dma_wait3A_467] : memref<16384x128xf32, #tpu.memory_space<hbm>> -> memref<128x128xf32, #tpu.memory_space<hbm>>
    %dma_wait3A_469 = arith.constant 0 : i32
    %dma_wait3A_470 = arith.constant 0 : i32
    %dma_wait3A_471 = tpu.memref_slice %arg10[%dma_wait3A_457, %dma_wait3A_469, %dma_wait3A_470] : memref<7x128x128xf32, #tpu.memory_space<vmem>> -> memref<1x128x128xf32, #tpu.memory_space<vmem>>
    %dma_wait3A_472 = tpu.memref_squeeze %dma_wait3A_471 : memref<1x128x128xf32, #tpu.memory_space<vmem>> -> memref<128x128xf32, #tpu.memory_space<vmem>>
    tpu.wait_dma2 semaphore(%dma_wait3A_466 : memref<!tpu.dma_semaphore, #tpu.memory_space<semaphore_mem>>) src(%dma_wait3A_472 : memref<128x128xf32, #tpu.memory_space<vmem>>) dst(%dma_wait3A_468 : memref<128x128xf32, #tpu.memory_space<hbm>>)
    %dma_wait3A_473 = arith.constant 5 : i32
    %dma_wait3A_474 = arith.constant 5 : i32
    %dma_wait3A_475 = arith.constant 0 : i32
    %dma_wait3A_476 = arith.constant 0 : i32
    %dma_wait3A_477 = tpu.memref_slice %arg10[%dma_wait3A_473, %dma_wait3A_475, %dma_wait3A_476] : memref<7x128x128xf32, #tpu.memory_space<vmem>> -> memref<1x128x128xf32, #tpu.memory_space<vmem>>
    %dma_wait3A_478 = tpu.memref_squeeze %dma_wait3A_477 : memref<1x128x128xf32, #tpu.memory_space<vmem>> -> memref<128x128xf32, #tpu.memory_space<vmem>>
    %dma_wait3A_479 = arith.constant 0 : i32
    %dma_wait3A_480 = tpu.memref_slice %arg7[%mul3A_326, %dma_wait3A_479] : memref<16384x128xf32, #tpu.memory_space<hbm>> -> memref<128x128xf32, #tpu.memory_space<hbm>>
    %dma_wait3A_481 = tpu.memref_slice %arg12[%dma_wait3A_474] : memref<7x!tpu.dma_semaphore, #tpu.memory_space<semaphore_mem>> -> memref<1x!tpu.dma_semaphore, #tpu.memory_space<semaphore_mem>>
    %dma_wait3A_482 = tpu.memref_squeeze %dma_wait3A_481 : memref<1x!tpu.dma_semaphore, #tpu.memory_space<semaphore_mem>> -> memref<!tpu.dma_semaphore, #tpu.memory_space<semaphore_mem>>
    %dma_wait3A_483 = arith.constant 0 : i32
    %dma_wait3A_484 = tpu.memref_slice %arg7[%mul3A_326, %dma_wait3A_483] : memref<16384x128xf32, #tpu.memory_space<hbm>> -> memref<128x128xf32, #tpu.memory_space<hbm>>
    %dma_wait3A_485 = arith.constant 0 : i32
    %dma_wait3A_486 = arith.constant 0 : i32
    %dma_wait3A_487 = tpu.memref_slice %arg10[%dma_wait3A_473, %dma_wait3A_485, %dma_wait3A_486] : memref<7x128x128xf32, #tpu.memory_space<vmem>> -> memref<1x128x128xf32, #tpu.memory_space<vmem>>
    %dma_wait3A_488 = tpu.memref_squeeze %dma_wait3A_487 : memref<1x128x128xf32, #tpu.memory_space<vmem>> -> memref<128x128xf32, #tpu.memory_space<vmem>>
    tpu.wait_dma2 semaphore(%dma_wait3A_482 : memref<!tpu.dma_semaphore, #tpu.memory_space<semaphore_mem>>) src(%dma_wait3A_488 : memref<128x128xf32, #tpu.memory_space<vmem>>) dst(%dma_wait3A_484 : memref<128x128xf32, #tpu.memory_space<hbm>>)
    %dma_wait3A_489 = arith.constant 6 : i32
    %dma_wait3A_490 = arith.constant 6 : i32
    %dma_wait3A_491 = arith.constant 0 : i32
    %dma_wait3A_492 = arith.constant 0 : i32
    %dma_wait3A_493 = tpu.memref_slice %arg10[%dma_wait3A_489, %dma_wait3A_491, %dma_wait3A_492] : memref<7x128x128xf32, #tpu.memory_space<vmem>> -> memref<1x128x128xf32, #tpu.memory_space<vmem>>
    %dma_wait3A_494 = tpu.memref_squeeze %dma_wait3A_493 : memref<1x128x128xf32, #tpu.memory_space<vmem>> -> memref<128x128xf32, #tpu.memory_space<vmem>>
    %dma_wait3A_495 = arith.constant 0 : i32
    %dma_wait3A_496 = tpu.memref_slice %arg7[%mul3A_359, %dma_wait3A_495] : memref<16384x128xf32, #tpu.memory_space<hbm>> -> memref<128x128xf32, #tpu.memory_space<hbm>>
    %dma_wait3A_497 = tpu.memref_slice %arg12[%dma_wait3A_490] : memref<7x!tpu.dma_semaphore, #tpu.memory_space<semaphore_mem>> -> memref<1x!tpu.dma_semaphore, #tpu.memory_space<semaphore_mem>>
    %dma_wait3A_498 = tpu.memref_squeeze %dma_wait3A_497 : memref<1x!tpu.dma_semaphore, #tpu.memory_space<semaphore_mem>> -> memref<!tpu.dma_semaphore, #tpu.memory_space<semaphore_mem>>
    %dma_wait3A_499 = arith.constant 0 : i32
    %dma_wait3A_500 = tpu.memref_slice %arg7[%mul3A_359, %dma_wait3A_499] : memref<16384x128xf32, #tpu.memory_space<hbm>> -> memref<128x128xf32, #tpu.memory_space<hbm>>
    %dma_wait3A_501 = arith.constant 0 : i32
    %dma_wait3A_502 = arith.constant 0 : i32
    %dma_wait3A_503 = tpu.memref_slice %arg10[%dma_wait3A_489, %dma_wait3A_501, %dma_wait3A_502] : memref<7x128x128xf32, #tpu.memory_space<vmem>> -> memref<1x128x128xf32, #tpu.memory_space<vmem>>
    %dma_wait3A_504 = tpu.memref_squeeze %dma_wait3A_503 : memref<1x128x128xf32, #tpu.memory_space<vmem>> -> memref<128x128xf32, #tpu.memory_space<vmem>>
    tpu.wait_dma2 semaphore(%dma_wait3A_498 : memref<!tpu.dma_semaphore, #tpu.memory_space<semaphore_mem>>) src(%dma_wait3A_504 : memref<128x128xf32, #tpu.memory_space<vmem>>) dst(%dma_wait3A_500 : memref<128x128xf32, #tpu.memory_space<hbm>>)
    %dma_wait3A_505 = arith.constant 0 : i32
    %dma_wait3A_506 = arith.constant 0 : i32
    %dma_wait3A_507 = arith.constant 0 : i32
    %dma_wait3A_508 = arith.constant 0 : i32
    %dma_wait3A_509 = tpu.memref_slice %arg10[%dma_wait3A_505, %dma_wait3A_507, %dma_wait3A_508] : memref<7x128x128xf32, #tpu.memory_space<vmem>> -> memref<1x128x128xf32, #tpu.memory_space<vmem>>
    %dma_wait3A_510 = tpu.memref_squeeze %dma_wait3A_509 : memref<1x128x128xf32, #tpu.memory_space<vmem>> -> memref<128x128xf32, #tpu.memory_space<vmem>>
    %dma_wait3A_511 = arith.constant 0 : i32
    %dma_wait3A_512 = tpu.memref_slice %arg7[%mul3A_392, %dma_wait3A_511] : memref<16384x128xf32, #tpu.memory_space<hbm>> -> memref<128x128xf32, #tpu.memory_space<hbm>>
    %dma_wait3A_513 = tpu.memref_slice %arg12[%dma_wait3A_506] : memref<7x!tpu.dma_semaphore, #tpu.memory_space<semaphore_mem>> -> memref<1x!tpu.dma_semaphore, #tpu.memory_space<semaphore_mem>>
    %dma_wait3A_514 = tpu.memref_squeeze %dma_wait3A_513 : memref<1x!tpu.dma_semaphore, #tpu.memory_space<semaphore_mem>> -> memref<!tpu.dma_semaphore, #tpu.memory_space<semaphore_mem>>
    %dma_wait3A_515 = arith.constant 0 : i32
    %dma_wait3A_516 = tpu.memref_slice %arg7[%mul3A_392, %dma_wait3A_515] : memref<16384x128xf32, #tpu.memory_space<hbm>> -> memref<128x128xf32, #tpu.memory_space<hbm>>
    %dma_wait3A_517 = arith.constant 0 : i32
    %dma_wait3A_518 = arith.constant 0 : i32
    %dma_wait3A_519 = tpu.memref_slice %arg10[%dma_wait3A_505, %dma_wait3A_517, %dma_wait3A_518] : memref<7x128x128xf32, #tpu.memory_space<vmem>> -> memref<1x128x128xf32, #tpu.memory_space<vmem>>
    %dma_wait3A_520 = tpu.memref_squeeze %dma_wait3A_519 : memref<1x128x128xf32, #tpu.memory_space<vmem>> -> memref<128x128xf32, #tpu.memory_space<vmem>>
    tpu.wait_dma2 semaphore(%dma_wait3A_514 : memref<!tpu.dma_semaphore, #tpu.memory_space<semaphore_mem>>) src(%dma_wait3A_520 : memref<128x128xf32, #tpu.memory_space<vmem>>) dst(%dma_wait3A_516 : memref<128x128xf32, #tpu.memory_space<hbm>>)
    return
  }
}

module attributes {stable_mosaic.version = 14 : i64} {
  func.func @body(%arg0: i32, %arg1: memref<8192x128xf32, #tpu.memory_space<vmem>>, %arg2: memref<8192x128xf32, #tpu.memory_space<vmem>>, %arg3: memref<128x256xf32, #tpu.memory_space<vmem>>, %arg4: memref<1x128xf32, #tpu.memory_space<vmem>>, %arg5: memref<8192x128xf32, #tpu.memory_space<vmem>>) attributes {dimension_semantics = [#tpu.dimension_semantics<arbitrary>], iteration_bounds = array<i64: 2>, scalar_prefetch = 0 : i64, scratch_operands = 0 : i64, tpu.core_type = #tpu.core_type<tc>, window_params = [{transform_indices = @transform_0, window_bounds = array<i64: 8192, 128>}, {transform_indices = @transform_1, window_bounds = array<i64: 8192, 128>}, {pipeline_mode = #tpu.pipeline_mode<synchronous>, transform_indices = @transform_2, window_bounds = array<i64: 128, 256>}, {pipeline_mode = #tpu.pipeline_mode<synchronous>, transform_indices = @transform_3, window_bounds = array<i64: 1, 128>}, {transform_indices = @transform_4, window_bounds = array<i64: 8192, 128>}]} {
    %get3A = arith.constant 0 : index
    %get3A_0 = arith.constant 0 : index
    %get3A_1 = vector.load %arg1[%get3A, %get3A_0] : memref<8192x128xf32, #tpu.memory_space<vmem>>, vector<8192x128xf32>
    %get3A_2 = arith.constant 0 : index
    %get3A_3 = arith.constant 0 : index
    %get3A_4 = vector.load %arg3[%get3A_2, %get3A_3] : memref<128x256xf32, #tpu.memory_space<vmem>>, vector<128x128xf32>
    %dot_general3A = arith.constant dense<0.000000e+00> : vector<8192x128xf32>
    %dot_general3A_5 = tpu.matmul %get3A_1, %get3A_4, %dot_general3A {dimension_numbers = #tpu.dot_dimension_numbers<[1], [1], [0], [0], [0, 0, 1, 0], [], []>, transpose_lhs_hint = false} : vector<8192x128xf32>, vector<128x128xf32>, vector<8192x128xf32> -> vector<8192x128xf32>
    %get3A_6 = arith.constant 0 : index
    %get3A_7 = arith.constant 0 : index
    %get3A_8 = vector.load %arg2[%get3A_6, %get3A_7] : memref<8192x128xf32, #tpu.memory_space<vmem>>, vector<8192x128xf32>
    %get3A_9 = arith.constant 0 : index
    %get3A_10 = arith.constant 128 : index
    %get3A_11 = vector.load %arg3[%get3A_9, %get3A_10] : memref<128x256xf32, #tpu.memory_space<vmem>>, vector<128x128xf32>
    %dot_general3A_12 = arith.constant dense<0.000000e+00> : vector<8192x128xf32>
    %dot_general3A_13 = tpu.matmul %get3A_8, %get3A_11, %dot_general3A_12 {dimension_numbers = #tpu.dot_dimension_numbers<[1], [1], [0], [0], [0, 0, 1, 0], [], []>, transpose_lhs_hint = false} : vector<8192x128xf32>, vector<128x128xf32>, vector<8192x128xf32> -> vector<8192x128xf32>
    %add3A = arith.addf %dot_general3A_5, %dot_general3A_13 : vector<8192x128xf32>
    %get3A_14 = arith.constant 0 : index
    %get3A_15 = arith.constant 0 : index
    %get3A_16 = vector.load %arg4[%get3A_14, %get3A_15] : memref<1x128xf32, #tpu.memory_space<vmem>>, vector<1x128xf32>
    %add3A_17 = vector.broadcast %get3A_16 : vector<1x128xf32> to vector<8192x128xf32>
    %add3A_18 = arith.addf %add3A, %add3A_17 : vector<8192x128xf32>
    %max3A = arith.constant 0.000000e+00 : f32
    %max3A_19 = vector.broadcast %max3A : f32 to vector<8192x128xf32>
    %max3A_20 = arith.maximumf %add3A_18, %max3A_19 : vector<8192x128xf32>
    %swap3A = arith.constant 0 : index
    %swap3A_21 = arith.constant 0 : index
    %swap3A_22 = vector.load %arg5[%swap3A, %swap3A_21] : memref<8192x128xf32, #tpu.memory_space<vmem>>, vector<8192x128xf32>
    tpu.vector_store %arg5[%swap3A, %swap3A_21], %max3A_20 {strides = array<i32>} : memref<8192x128xf32, #tpu.memory_space<vmem>>, vector<8192x128xf32>,
    return
  }
  func.func @transform_0(%arg0: i32) -> (i32, i32) {
    %c0_i32 = arith.constant 0 : i32
    %c0_i32_0 = arith.constant 0 : i32
    return %arg0, %c0_i32 : i32, i32
  }
  func.func @transform_1(%arg0: i32) -> (i32, i32) {
    %c0_i32 = arith.constant 0 : i32
    %c0_i32_0 = arith.constant 0 : i32
    return %arg0, %c0_i32 : i32, i32
  }
  func.func @transform_2(%arg0: i32) -> (i32, i32) {
    %c0_i32 = arith.constant 0 : i32
    %c0_i32_0 = arith.constant 0 : i32
    %c0_i32_1 = arith.constant 0 : i32
    return %c0_i32, %c0_i32_0 : i32, i32
  }
  func.func @transform_3(%arg0: i32) -> (i32, i32) {
    %c0_i32 = arith.constant 0 : i32
    %c0_i32_0 = arith.constant 0 : i32
    %c0_i32_1 = arith.constant 0 : i32
    return %c0_i32, %c0_i32_0 : i32, i32
  }
  func.func @transform_4(%arg0: i32) -> (i32, i32) {
    %c0_i32 = arith.constant 0 : i32
    %c0_i32_0 = arith.constant 0 : i32
    return %arg0, %c0_i32 : i32, i32
  }
}

</mosaic_0001>

<sc_bundles>
// kernel: kernel.4.cloned.1.call-start
scs
__scs_entry_jumppad:
0x0: {  	(pc) =	sbr.rel $0x88, $3  }
0x1: {  	(tag) =	ssettag $0x0;
	lr =	simm.s32 $0x1  }
0x2: {  	[smem:$0x3F9B] =	sst lr;
	_ =	strace $0xD0000000  }
0x3: {  	_ = 	snop  }
0x4: {  	_ = 	snop  }
0x5: {  	_ = 	snop  }
0x6: {  	_ = 	snop  }
0x7: {  	_ = 	snop  }
__scs_overlays_trampoline_lowered:
0x8: {  	[smem:$0x3FAA] =	sst s0  }
0x9: {  	[smem:$0x3FAB] =	sst s1  }
0xa: {  	[smem:$0x3FAC] =	sst s2  }
0xb: {  	[smem:$0x3FAD] =	sst s3  }
0xc: {  	[smem:$0x3FAE] =	sst s4  }
0xd: {  	[smem:$0x3FAF] =	sst s5  }
0xe: {  	[smem:$0x3FB0] =	sst s6  }
0xf: {  	[smem:$0x3FB1] =	sst s7  }
0x10: {  	[smem:$0x3FB2] =	sst s8  }
0x11: {  	[smem:$0x3FB3] =	sst s9;
	s0 =	simm.s32 @!p0 $0x0  }
0x12: {  	s1 =	sld [smem:$0x3F99];
	s0 =	simm.s32 @p0 $0x1  }
0x13: {  	[smem:$0x3FB4] =	sst s0;
	s0 =	simm.s32 @!p1 $0x0  }
0x14: {  	s2 =	sld [smem:$0x3F98];
	s0 =	simm.s32 @p1 $0x1  }
0x15: {  	[smem:$0x3FB5] =	sst s0;
	s0 =	simm.s32 @!p2 $0x0  }
0x16: {  	s3 =	sld [smem:$0x3FDB];
	s0 =	simm.s32 @p2 $0x1  }
0x17: {  	s4 =	simm.s32 $0x1BF5;
	[smem:$0x3FB7] =	sst s0  }
0x18: {  	s0 =	sld [smem:$0x3F9A];
	_ =	swait.ge [sflag:s4], $0x0  }
0x19: {  	s7 =	sld [smem:$0x3F9B]  }
0x1a: {  	s8 =	sadd.s32 $0xFFFFE003, lr  }
0x1b: {  	s9 =	sadd.s32 $0xFFFFFEF7, lr;
	s5 =	simm.s32 $0xFFFFFFFF;
	p2 =	slt.u32 s8, $0xFFFFF086  }
0x1c: {  	p1 =	slt.u32 s9, $0xF7A;
	s5 =	simm.s32 @!p2 $0x0  }
0x1d: {  	s5 =	simm.s32 @p1 $0x1;
	p0 =	seq.s32 s7, s2  }
0x1e: {  	s7 =	smul.u32 @!p0 $0xF7A, s2;
	p2 =	seq.s32 @!p0 s5, $0x0  }
0x1f: {  	s9 =	smul.u32 $0xF7A, s1;
	s8 =	simm.s32 @!p0 $0x1BF5;
	p2 =	por !p2, p0  }
0x20: {  	[sflag:s8] =	ssyncset.s32 @!p0 $0xFFFFF086;
	s6 =	sadd.s32 @!p0 s3, s7;
	s7 =	simm.s32 @!p0 $0x108  }
0x21: {  	s3 =	sadd.s32 s3, s9;
	s6 =	sadd.s32 @!p0 $0x88, s6;
	s7 =	simm.s32 @p2 $0x1082  }
0x22: {  	[simem:s7], [sflag:s8] =	dma.local @!p0 [hbm:s6], $0xF7A  }
0x23: {  	s9 =	sor.u32 $0xD0000000, s2;
	s6 =	simm.s32 $0x108;
	_ =	swait.ge @!p0 [sflag:s8], $0x0  }
0x24: {  	s3 =	sadd.s32 $0x88, s3;
	s6 =	simm.s32 @!p1 $0x1082;
	[sflag:s4] =	ssyncset.s32 $0xFFFFF086  }
0x25: {  	[simem:s6], [sflag:s4] =	dma.local [hbm:s3], $0xF7A  }
0x26: {  	[smem:$0x3F9B] =	sst s1;
	(tag) =	ssettag s2;
	_ =	strace s9  }
0x27: {  	s1 =	sld [smem:$0x3FAB]  }
0x28: {  	s2 =	sld [smem:$0x3FAC]  }
0x29: {  	s4 =	sld [smem:$0x3FAE]  }
0x2a: {  	p0 =	seq.s32 s5, $0x0;
	s5 =	sld [smem:$0x3FAF]  }
0x2b: {  	s6 =	sld [smem:$0x3FB0]  }
0x2c: {  	s7 =	sld [smem:$0x3FB1]  }
0x2d: {  	s3 =	simm.s32 $0x108;
	s8 =	sld [smem:$0x3FB2]  }
0x2e: {  	s3 =	simm.s32 @!p0 $0x1082;
	s9 =	sld [smem:$0x3FB3]  }
0x2f: {  	lr =	sadd.s32 s0, s3;
	s0 =	sld [smem:$0x3FAA]  }
0x30: {  	s3 =	sld [smem:$0x3FAD]  }
0x31: {  	[smem:$0x3FB6] =	sst s10  }
0x32: {  	s10 =	sld [smem:$0x3FB4];
	_ =	sdelay $0x3  }
0x33: {  	p0 =	seq.s32 s10, $0x1;
	s10 =	sld [smem:$0x3FB6];
	_ =	sdelay $0x3  }
0x34: {  	[smem:$0x3FB6] =	sst s10  }
0x35: {  	s10 =	sld [smem:$0x3FB5];
	_ =	sdelay $0x3  }
0x36: {  	p1 =	seq.s32 s10, $0x1;
	s10 =	sld [smem:$0x3FB6];
	_ =	sdelay $0x3  }
0x37: {  	[smem:$0x3FB6] =	sst s10  }
0x38: {  	s10 =	sld [smem:$0x3FB7]  }
0x39: {  	_ = 	snop;
	(pc) =	sbr.ind lr, $3  }
0x3a: {  	_ = 	snop  }
0x3b: {  	_ = 	snop  }
0x3c: {  	p2 =	seq.s32 s10, $0x1;
	s10 =	sld [smem:$0x3FB6]  }
0x3d: {  	_ =	shalt  }
0x3e: {  	_ =	shalt  }
0x3f: {  	_ =	shalt  }
0x40: {  	_ =	shalt  }
0x41: {  	_ =	shalt  }
0x42: {  	_ =	shalt  }
0x43: {  	_ =	shalt  }
0x44: {  	_ =	shalt  }
0x45: {  	_ =	shalt  }
0x46: {  	_ =	shalt  }
0x47: {  	_ =	shalt  }
0x48: {  	_ =	shalt  }
0x49: {  	_ =	shalt  }
0x4a: {  	_ =	shalt  }
0x4b: {  	_ =	shalt  }
0x4c: {  	_ =	shalt  }
0x4d: {  	_ =	shalt  }
0x4e: {  	_ =	shalt  }
0x4f: {  	_ =	shalt  }
0x50: {  	_ =	shalt  }
0x51: {  	_ =	shalt  }
0x52: {  	_ =	shalt  }
0x53: {  	_ =	shalt  }
0x54: {  	_ =	shalt  }
0x55: {  	_ =	shalt  }
0x56: {  	_ =	shalt  }
0x57: {  	_ =	shalt  }
0x58: {  	_ =	shalt  }
0x59: {  	_ =	shalt  }
0x5a: {  	_ =	shalt  }
0x5b: {  	_ =	shalt  }
0x5c: {  	_ =	shalt  }
0x5d: {  	_ =	shalt  }
0x5e: {  	_ =	shalt  }
0x5f: {  	_ =	shalt  }
0x60: {  	_ =	shalt  }
0x61: {  	_ =	shalt  }
0x62: {  	_ =	shalt  }
0x63: {  	_ =	shalt  }
0x64: {  	_ =	shalt  }
0x65: {  	_ =	shalt  }
0x66: {  	_ =	shalt  }
0x67: {  	_ =	shalt  }
0x68: {  	_ =	shalt  }
0x69: {  	_ =	shalt  }
0x6a: {  	_ =	shalt  }
0x6b: {  	_ =	shalt  }
0x6c: {  	_ =	shalt  }
0x6d: {  	_ =	shalt  }
0x6e: {  	_ =	shalt  }
0x6f: {  	_ =	shalt  }
0x70: {  	_ =	shalt  }
0x71: {  	_ =	shalt  }
0x72: {  	_ =	shalt  }
0x73: {  	_ =	shalt  }
0x74: {  	_ =	shalt  }
0x75: {  	_ =	shalt  }
0x76: {  	_ =	shalt  }
0x77: {  	_ =	shalt  }
0x78: {  	_ =	shalt  }
0x79: {  	_ =	shalt  }
0x7a: {  	_ =	shalt  }
0x7b: {  	_ =	shalt  }
0x7c: {  	_ =	shalt  }
0x7d: {  	_ =	shalt  }
0x7e: {  	_ =	shalt  }
0x7f: {  	_ =	shalt  }
0x80: {  	_ =	shalt  }
0x81: {  	_ =	shalt  }
0x82: {  	_ =	shalt  }
0x83: {  	_ =	shalt  }
0x84: {  	_ =	shalt  }
0x85: {  	_ =	shalt  }
0x86: {  	_ =	shalt  }
0x87: {  	_ =	shalt  }
.Lfunc_end0:
.L_simem_size_0:
called_computation_lowered:
.L_overlay_start_0:
0x88: {  	s2 =	sld [smem:$0x3FD9]  }
0x89: {  	s3 =	sld [smem:$0x3FFE];
	_ =	sdelay $0x1  }
0x8a: {  	s1 =	srdreg.scid  }
0x8b: {  	s0 =	sand.u32 $0x1, s1  }
0x8c: {  	s17 =	sshll.u32 s0, $0xA;
	s2 =	sadd.s32 s3, s2  }
0x8d: {  	s2 =	sadd.s32 s2, s17  }
0x8e: {  	[smem:$0x3FC2] =	sst s2  }
0x8f: {  	_ = 	snop  }
0x90: {  	s2 =	sld [smem:$0x3FC9]  }
0x91: {  	s18 =	sld [smem:$0x3FC8]  }
0x92: {  	s4 =	sld [smem:$0x3FC7]  }
0x93: {  	s5 =	sld [smem:$0x3FC6]  }
0x94: {  	s6 =	sld [smem:$0x3FD0];
	(tm) =	ssettm $0x1  }
0x95: {  	s7 =	sld [smem:$0x3FFB];
	_ =	sdelay $0x3  }
0x96: {  	_ =	strace s7  }
0x97: {  	s7 =	sld [smem:$0x3FFC];
	_ =	sdelay $0x3  }
0x98: {  	_ =	strace s7  }
0x99: {  	s7 =	sld [smem:$0x3FFD];
	_ =	sdelay $0x3  }
0x9a: {  	_ =	strace s7  }
0x9b: {  	_ =	strace $0x8FFFFFFF  }
0x9c: {  	s19 =	sld [smem:$0x3FDB];
	_ =	sdelay $0x1  }
0x9d: {  	s8 =	simm.s32 $_scs_section_size  }
0x9e: {  	s9 =	simm.s32 $_size__tile_overlayer_lowered;
	s10 =	simm.s32 $_tile_overlayer_lowered  }
0x9f: {  	s22 =	simm.s32 $0x1BFF;
	s21 =	sshll.u32 s10, $0x1;
	s7 =	sadd.s32 s8, s19  }
0xa0: {  	s11 =	simm.s32 $0x0;
	s20 =	sshll.u32 s9, $0x1;
	s9 =	sadd.s32 s21, s7  }
0xa1: {  	[timem:s11], [sflag:s22] =	dma.local [hbm:s9], s20  }
0xa2: {  	_ =	swait.ge [sflag:s22], s20  }
0xa3: {  	s8 =	ssub.s32 $0x0, s20;
	[sflag:s22] =	ssyncset.done $0x0  }
0xa4: {  	[sflag:s22] =	ssyncadd.s32 s8;
	_ =	sdelay $0x1  }
0xa5: {  	s23 =	simm.s32 $0x1B8B  }
0xa6: {  	_ =	swait.ge [sflag:s23], $0x1  }
0xa7: {  	[sflag:s23] =	ssyncset.done $0x0  }
0xa8: {  	s25 =	simm.s32 $0x1B8E;
	s24 =	sld [smem:$0x3FFE];
	[sflag:s23] =	ssyncadd.s32 $0xFFFFFFFF  }
0xa9: {  	s26 =	simm.s32 $execute0_lowered;
	[smem:$0x3FD2] =	sst s25  }
0xaa: {  	s9 =	sshll.u32 s26, $0x1;
	_ =	strace $0x80000046;
	[dreg:$0x1] =	wrdreg $0xFFFFFFFF  }
0xab: {  	s28 =	simm.s32 $_size_execute0_lowered;
	s7 =	sadd.s32 s7, s9;
	[dreg:$0x0] =	wrdreg $0x0  }
0xac: {  	s9 =	sshll.u32 s28, $0x1;
	[dreg:$0x2] =	wrdreg s7  }
0xad: {  	[dreg:$0x3] =	wrdreg s9  }
0xae: {  	[dreg:$0x4] =	wrdreg $0xC0  }
0xaf: {  	_ =	task [dreg:s11], $0x5FFFF  }
0xb0: {  	[dreg:$0x1] =	wrdreg $0xFFFFFFFF  }
0xb1: {  	[dreg:$0x0] =	wrdreg $0x60  }
0xb2: {  	[dreg:$0x2] =	wrdreg s2  }
0xb3: {  	[dreg:$0x3] =	wrdreg s18  }
0xb4: {  	[dreg:$0x4] =	wrdreg s4  }
0xb5: {  	[dreg:$0x5] =	wrdreg s5  }
0xb6: {  	[dreg:$0x6] =	wrdreg s6  }
0xb7: {  	[dreg:$0x7] =	wrdreg s24  }
0xb8: {  	[dreg:$0x8] =	wrdreg $0x9  }
0xb9: {  	_ =	task.clear_ibuf [dreg:s11], $0x9FFFF;
	_ =	strace $0x90000046  }
0xba: {  	s29 =	simm.s32 $0x9;
	_ =	strace $0x80000048  }
0xbb: {  	_ =	swait.ge [sflag:s29], $0x1  }
0xbc: {  	[sflag:s29] =	ssyncadd.s32 $0xFFFFFFFF  }
0xbd: {  	_ =	strace $0x90000048  }
0xbe: {  	_ =	sfence  }
0xbf: {  	s30 =	sld [smem:$0x0];
	_ =	sdelay $0x2  }
0xc0: {  	s31 =	sshll.u32 s1, $0xD;
	s1 =	sshrl.u32 s1, $0x2  }
0xc1: {  	s3 =	sand.u32 $0x4000, s31;
	s1 =	sadd.s32 s1, s30  }
0xc2: {  	s0 =	sor.u32 s3, s0;
	s1 =	sshll.u32 s1, $0x11  }
0xc3: {  	s0 =	sor.u32 s1, s0  }
0xc4: {  	s0 =	sadd.s32 $0x8F2B, s0  }
0xc5: {  	[sflag:s0] =	ssyncadd.remote.s32 $0x1  }
0xc6: {  	_ =	sfence.sel $0xFFFF  }
0xc7: {  	[dreg:$0x0] =	wrdreg $0xFFFFFFFF;
	(pc) =	sbr.abs _section_cstart, $3  }
0xc8: {  	[dreg:$0x1] =	wrdreg $0xFFFFFFFF  }
0xc9: {  	_ =	task.clear_ibuf [dreg:s11], $0x2FFFF;
	_ =	strace $0x9FFFFFFF  }
0xca: {  	(tm) =	ssettm $0x7FFFFFFF  }
0xcb: {  	_ =	shalt  }
tec
execute0_lowered:
.L_overlay_start_1:
0x0: {  	(tag) =	ssettag $0x1  }
0x1: {  	s0 =	rddreg [dreg:$0x0]  }
0x2: {  	s1 =	rddreg [dreg:$0x1]  }
0x3: {  	s6 =	rddreg [dreg:$0x2]  }
0x4: {  	s3 =	rddreg [dreg:$0x3]  }
0x5: {  	s4 =	rddreg [dreg:$0x4]  }
0x6: {  	s2 =	srdreg.scid;
	s8 =	stileid.u32  }
0x7: {  	s5 =	rddreg [dreg:$0x5];
	s30 =	simm.s32 $0xF;
	s20 =	simm.s32 $0x8400  }
0x8: {  	s18 =	simm.s32 $0xC400;
	s31 =	simm.s32 $0x10;
	s29 =	simm.s32 $0x2  }
0x9: {  	s28 =	simm.s32 $0x3;
	s19 =	simm.s32 $0x7;
	p0 =	por $0x0, $0x0  }
0xa: {  	s7 =	sand.u32 $0x1, s2;
	s8 =	sshll.u32 s8, $0x1;
	s2 =	simm.s32 $0x0  }
0xb: {  	s5 =	sadd.s32 $0x1000, s5;
	s8 =	sor.u32 s7, s8;
	[smem:$0x7FF] =	sst s2  }
0xc: {  	s13 =	ssub.s32 $0x2, s7;
	s7 =	simm.s32 $0x1;
	s9 =	sshll.u32 s8, $0x6  }
0xd: {  	_ =	strace $0x80000047;
	s22 =	sshll.u32 s8, $0xD;
	s15 =	sshrl.u32 s13, $0x1  }
0xe: {  	s0 =	sadd.s32 s0, s9;
	s21 =	sadd.s32 s1, s9;
	s23 =	sadd.s32 s4, s22  }
0xf: {  	s8 =	sor.u32 $0x800, s22;
	s25 =	sor.u32 $0x1000, s22;
	s10 =	sor.u32 $0x1800, s22  }
0x10: {  	s11 =	sadd.s32 s5, s22;
	s1 =	ssub.s32 s13, s15;
	[dreg:$0x7] =	wrdreg s0  }
0x11: {  	s22 =	simm.s32 $0x4400;
	s15 =	simm.s32 $0x10400;
	[dreg:$0x8] =	wrdreg s21  }
0x12: {  	s13 =	simm.s32 $0xA;
	s9 =	simm.s32 $0xD;
	[dreg:$0x9] =	wrdreg s23  }
0x13: {  	s24 =	sadd.s32 s4, s8;
	s26 =	sadd.s32 s4, s25;
	[dreg:$0xd] =	wrdreg s11  }
0x14: {  	s4 =	sadd.s32 s4, s10;
	s12 =	sadd.s32 s5, s8;
	[dreg:$0xa] =	wrdreg s24  }
0x15: {  	s14 =	sadd.s32 s5, s25;
	s16 =	sadd.s32 s5, s10;
	[dreg:$0xb] =	wrdreg s26  }
0x16: {  	s17 =	smax.u32 s1, $0x1;
	s25 =	simm.s32 $0x200;
	[dreg:$0xc] =	wrdreg s4  }
0x17: {  	s5 =	simm.s32 $0x400;
	s21 =	simm.s32 $0x100;
	[dreg:$0xe] =	wrdreg s12  }
0x18: {  	s23 =	simm.s32 $0x180;
	s11 =	simm.s32 $0xB;
	[dreg:$0xf] =	wrdreg s14  }
0x19: {  	s10 =	simm.s32 $0xC;
	s8 =	simm.s32 $0xE;
	[dreg:$0x10] =	wrdreg s16  }
0x1a: {  	s14 =	simm.s32 $0x80;
	[dreg:$0x11] =	wrdreg s21;
	p1 =	sne.s32 s17, $0x1  }
.Ltmp0:
0x1b: {  	[dreg:$0x12] =	wrdreg s23;
	s24 =	simm.s32 $0x280;
	(pc) =	sbr.rel @!p1 .LBB2_1-.Ltmp0, $4  }
0x1c: {  	s26 =	simm.s32 $0x300;
	s16 =	simm.s32 $0x14400;
	s0 =	rddreg [dreg:$0x7]  }
0x1d: {  	s12 =	simm.s32 $0x18400;
	s4 =	simm.s32 $0x8;
	[dreg:$0x13] =	wrdreg s24  }
0x1e: {  	s23 =	simm.s32 $0x5;
	s21 =	simm.s32 $0x6;
	[dreg:$0x14] =	wrdreg s26  }
0x1f: {  	s24 =	simm.s32 $0x4;
	s26 =	sadd.s32 $0xFFFFFFFF, s17;
	s17 =	simm.s32 $0x9  }
0x20: {  	[tilespmem:s2], [sflag:$0xF] =	stream.linear.gather [hbm4b:s0+s2], $0x200, $0x38;
	[tilespmem:$0x1C400] =	vst v63  }
0x21: {  	s1 =	rddreg [dreg:$0x8]  }
0x22: {  	[tilespmem:s25], [sflag:$0x10] =	stream.linear.gather [hbm4b:s1+s2], $0x200, $0x38;
	[tilespmem:$0x1C400] =	vst v63  }
0x23: {  	_ =	swait.ge [sflag:s30], $0x200  }
0x24: {  	[sflag:s30] =	ssyncset.done $0x0  }
0x25: {  	[sflag:s30] =	ssyncadd.s32 $0xFFFFFE00  }
0x26: {  	[tilespmem:s5], [sflag:$0x1] =	stream.indirect.gather [hbm4b:s6+s14], $0x80, s2, s14, $0xb8;
	[tilespmem:$0x1C400] =	vst v63  }
0x27: {  	_ = 	snop  }
0x28: {  	[tilespmem:s22], [sflag:$0x2] =	stream.indirect.gather [hbm4b:s6+s14], $0x80, s14, s14, $0xb8;
	[tilespmem:$0x1C400] =	vst v63  }
0x29: {  	s0 =	rddreg [dreg:$0x11]  }
0x2a: {  	[tilespmem:s20], [sflag:$0x3] =	stream.indirect.gather [hbm4b:s6+s14], $0x80, s0, s14, $0xb8;
	[tilespmem:$0x1C400] =	vst v63  }
0x2b: {  	s1 =	rddreg [dreg:$0x12]  }
0x2c: {  	[tilespmem:s18], [sflag:$0x4] =	stream.indirect.gather [hbm4b:s6+s14], $0x80, s1, s14, $0xb8;
	[tilespmem:$0x1C400] =	vst v63  }
0x2d: {  	_ =	swait.ge [sflag:s31], $0x200  }
0x2e: {  	[sflag:s31] =	ssyncset.done $0x0  }
0x2f: {  	[sflag:s31] =	ssyncadd.s32 $0xFFFFFE00  }
0x30: {  	[tilespmem:s15], [sflag:$0x5] =	stream.indirect.gather [hbm4b:s3+s14], $0x80, s25, s14, $0xb8;
	[tilespmem:$0x1C400] =	vst v63  }
0x31: {  	_ =	swait.ge [sflag:s7], $0x4000  }
0x32: {  	[sflag:s7] =	ssyncset.done $0x0  }
0x33: {  	s0 =	rddreg [dreg:$0x9];
	[sflag:s7] =	ssyncadd.s32 $0xFFFFC000  }
0x34: {  	[hbm4b:s0+s2] =	stream.linear.scatter [tilespmem:s5], [sflag:$0x8], $0x4000, $0x38;
	[tilespmem:$0x1C400] =	vst v63  }
0x35: {  	s1 =	rddreg [dreg:$0x13]  }
0x36: {  	[tilespmem:s16], [sflag:$0x6] =	stream.indirect.gather [hbm4b:s3+s14], $0x80, s1, s14, $0xb8;
	[tilespmem:$0x1C400] =	vst v63  }
0x37: {  	_ =	swait.ge [sflag:s29], $0x4000  }
0x38: {  	[sflag:s29] =	ssyncset.done $0x0  }
0x39: {  	s0 =	rddreg [dreg:$0xa];
	[sflag:s29] =	ssyncadd.s32 $0xFFFFC000  }
0x3a: {  	[hbm4b:s0+s2] =	stream.linear.scatter [tilespmem:s22], [sflag:$0x9], $0x4000, $0x38;
	[tilespmem:$0x1C400] =	vst v63  }
0x3b: {  	s1 =	rddreg [dreg:$0x14]  }
0x3c: {  	[tilespmem:s12], [sflag:$0x7] =	stream.indirect.gather [hbm4b:s3+s14], $0x80, s1, s14, $0xb8;
	[tilespmem:$0x1C400] =	vst v63  }
0x3d: {  	_ =	swait.ge [sflag:s28], $0x4000  }
0x3e: {  	[sflag:s28] =	ssyncset.done $0x0  }
0x3f: {  	s1 =	rddreg [dreg:$0xb];
	[sflag:s28] =	ssyncadd.s32 $0xFFFFC000  }
0x40: {  	[hbm4b:s1+s2] =	stream.linear.scatter [tilespmem:s20], [sflag:$0xA], $0x4000, $0x38;
	[tilespmem:$0x1C400] =	vst v63  }
0x41: {  	_ =	swait.ge [sflag:s4], $0x4000  }
0x42: {  	[sflag:s4] =	ssyncset.done $0x0  }
0x43: {  	s1 =	simm.s32 $0x380;
	[sflag:s4] =	ssyncadd.s32 $0xFFFFC000  }
0x44: {  	[tilespmem:s5], [sflag:$0x1] =	stream.indirect.gather [hbm4b:s3+s14], $0x80, s1, s14, $0xb8;
	[tilespmem:$0x1C400] =	vst v63  }
0x45: {  	_ =	swait.ge [sflag:s24], $0x4000  }
0x46: {  	[sflag:s24] =	ssyncset.done $0x0  }
0x47: {  	s1 =	rddreg [dreg:$0xc];
	[sflag:s24] =	ssyncadd.s32 $0xFFFFC000  }
0x48: {  	[hbm4b:s1+s2] =	stream.linear.scatter [tilespmem:s18], [sflag:$0xB], $0x4000, $0x38;
	[tilespmem:$0x1C400] =	vst v63  }
0x49: {  	_ =	swait.ge [sflag:s23], $0x4000  }
0x4a: {  	[sflag:s23] =	ssyncset.done $0x0  }
0x4b: {  	s1 =	rddreg [dreg:$0xd];
	[sflag:s23] =	ssyncadd.s32 $0xFFFFC000  }
0x4c: {  	[hbm4b:s1+s2] =	stream.linear.scatter [tilespmem:s15], [sflag:$0xC], $0x4000, $0x38;
	[tilespmem:$0x1C400] =	vst v63  }
0x4d: {  	_ =	swait.ge [sflag:s21], $0x4000  }
0x4e: {  	[sflag:s21] =	ssyncset.done $0x0  }
0x4f: {  	s1 =	rddreg [dreg:$0xe];
	[sflag:s21] =	ssyncadd.s32 $0xFFFFC000  }
0x50: {  	[hbm4b:s1+s2] =	stream.linear.scatter [tilespmem:s16], [sflag:$0xD], $0x4000, $0x38;
	[tilespmem:$0x1C400] =	vst v63  }
0x51: {  	_ =	swait.ge [sflag:s19], $0x4000  }
0x52: {  	[sflag:s19] =	ssyncset.done $0x0  }
0x53: {  	s1 =	rddreg [dreg:$0xf];
	[sflag:s19] =	ssyncadd.s32 $0xFFFFC000  }
0x54: {  	[hbm4b:s1+s2] =	stream.linear.scatter [tilespmem:s12], [sflag:$0xE], $0x4000, $0x38;
	[tilespmem:$0x1C400] =	vst v63  }
0x55: {  	_ =	swait.ge [sflag:s7], $0x4000  }
0x56: {  	[sflag:s7] =	ssyncset.done $0x0  }
0x57: {  	s1 =	rddreg [dreg:$0x10];
	[sflag:s7] =	ssyncadd.s32 $0xFFFFC000  }
0x58: {  	[hbm4b:s1+s2] =	stream.linear.scatter [tilespmem:s5], [sflag:$0x8], $0x4000, $0x38;
	[tilespmem:$0x1C400] =	vst v63  }
0x59: {  	_ =	swait.ge [sflag:s17], $0x4000  }
0x5a: {  	[sflag:s17] =	ssyncset.done $0x0  }
0x5b: {  	[sflag:s17] =	ssyncadd.s32 $0xFFFFC000  }
0x5c: {  	_ =	swait.ge [sflag:s13], $0x4000  }
0x5d: {  	[sflag:s13] =	ssyncset.done $0x0  }
0x5e: {  	[sflag:s13] =	ssyncadd.s32 $0xFFFFC000  }
0x5f: {  	_ =	swait.ge [sflag:s11], $0x4000  }
0x60: {  	[sflag:s11] =	ssyncset.done $0x0  }
0x61: {  	[sflag:s11] =	ssyncadd.s32 $0xFFFFC000  }
0x62: {  	_ =	swait.ge [sflag:s10], $0x4000  }
0x63: {  	[sflag:s10] =	ssyncset.done $0x0  }
0x64: {  	[sflag:s10] =	ssyncadd.s32 $0xFFFFC000  }
0x65: {  	_ =	swait.ge [sflag:s9], $0x4000  }
0x66: {  	[sflag:s9] =	ssyncset.done $0x0  }
0x67: {  	p1 =	sne.s32 s26, $0x1;
	[sflag:s9] =	ssyncadd.s32 $0xFFFFC000  }
.Ltmp1:
0x68: {  	_ =	swait.ge [sflag:s8], $0x4000;
	(pc) =	sbr.rel @!p1 .LBB2_3-.Ltmp1, $4  }
0x69: {  	[sflag:s8] =	ssyncset.done $0x0  }
0x6a: {  	[sflag:s8] =	ssyncadd.s32 $0xFFFFC000  }
0x6b: {  	p0 =	por $0x1, $0x1;
	_ =	swait.ge [sflag:s4], $0x4000  }
0x6c: {  	s1 =	sadd.s32 $0xFFFFFFFF, s26;
	s0 =	rddreg [dreg:$0x7];
	[sflag:s4] =	ssyncset.done $0x0  }
.LBB2_4:
0x6d: {  	[sflag:s4] =	ssyncadd.s32 $0xFFFFC000  }
0x6e: {  	[tilespmem:s2], [sflag:$0xF] =	stream.linear.gather [hbm4b:s0+s2], $0x200, $0x38;
	[tilespmem:$0x1C400] =	vst v63  }
0x6f: {  	s26 =	rddreg [dreg:$0x8]  }
0x70: {  	[tilespmem:s25], [sflag:$0x10] =	stream.linear.gather [hbm4b:s26+s2], $0x200, $0x38;
	[tilespmem:$0x1C400] =	vst v63  }
0x71: {  	_ =	swait.ge [sflag:s30], $0x200  }
0x72: {  	[sflag:s30] =	ssyncset.done $0x0  }
0x73: {  	[sflag:s30] =	ssyncadd.s32 $0xFFFFFE00  }
0x74: {  	[tilespmem:s5], [sflag:$0x1] =	stream.indirect.gather [hbm4b:s6+s14], $0x80, s2, s14, $0xb8;
	[tilespmem:$0x1C400] =	vst v63  }
0x75: {  	_ = 	snop  }
0x76: {  	[tilespmem:s22], [sflag:$0x2] =	stream.indirect.gather [hbm4b:s6+s14], $0x80, s14, s14, $0xb8;
	[tilespmem:$0x1C400] =	vst v63  }
0x77: {  	s0 =	rddreg [dreg:$0x11]  }
0x78: {  	[tilespmem:s20], [sflag:$0x3] =	stream.indirect.gather [hbm4b:s6+s14], $0x80, s0, s14, $0xb8;
	[tilespmem:$0x1C400] =	vst v63  }
0x79: {  	s26 =	rddreg [dreg:$0x12]  }
0x7a: {  	[tilespmem:s18], [sflag:$0x4] =	stream.indirect.gather [hbm4b:s6+s14], $0x80, s26, s14, $0xb8;
	[tilespmem:$0x1C400] =	vst v63  }
0x7b: {  	_ =	swait.ge [sflag:s31], $0x200  }
0x7c: {  	[sflag:s31] =	ssyncset.done $0x0  }
0x7d: {  	[sflag:s31] =	ssyncadd.s32 $0xFFFFFE00  }
0x7e: {  	[tilespmem:s15], [sflag:$0x5] =	stream.indirect.gather [hbm4b:s3+s14], $0x80, s25, s14, $0xb8;
	[tilespmem:$0x1C400] =	vst v63  }
0x7f: {  	_ =	swait.ge [sflag:s7], $0x4000  }
0x80: {  	[sflag:s7] =	ssyncset.done $0x0  }
0x81: {  	s0 =	rddreg [dreg:$0x9];
	[sflag:s7] =	ssyncadd.s32 $0xFFFFC000  }
0x82: {  	[hbm4b:s0+s2] =	stream.linear.scatter [tilespmem:s5], [sflag:$0x8], $0x4000, $0x38;
	[tilespmem:$0x1C400] =	vst v63  }
0x83: {  	s26 =	rddreg [dreg:$0x13]  }
0x84: {  	[tilespmem:s16], [sflag:$0x6] =	stream.indirect.gather [hbm4b:s3+s14], $0x80, s26, s14, $0xb8;
	[tilespmem:$0x1C400] =	vst v63  }
0x85: {  	_ =	swait.ge [sflag:s29], $0x4000  }
0x86: {  	[sflag:s29] =	ssyncset.done $0x0  }
0x87: {  	s0 =	rddreg [dreg:$0xa];
	[sflag:s29] =	ssyncadd.s32 $0xFFFFC000  }
0x88: {  	[hbm4b:s0+s2] =	stream.linear.scatter [tilespmem:s22], [sflag:$0x9], $0x4000, $0x38;
	[tilespmem:$0x1C400] =	vst v63  }
0x89: {  	s26 =	rddreg [dreg:$0x14]  }
0x8a: {  	[tilespmem:s12], [sflag:$0x7] =	stream.indirect.gather [hbm4b:s3+s14], $0x80, s26, s14, $0xb8;
	[tilespmem:$0x1C400] =	vst v63  }
0x8b: {  	_ =	swait.ge [sflag:s28], $0x4000  }
0x8c: {  	[sflag:s28] =	ssyncset.done $0x0  }
0x8d: {  	s26 =	rddreg [dreg:$0xb];
	[sflag:s28] =	ssyncadd.s32 $0xFFFFC000  }
0x8e: {  	[hbm4b:s26+s2] =	stream.linear.scatter [tilespmem:s20], [sflag:$0xA], $0x4000, $0x38;
	[tilespmem:$0x1C400] =	vst v63  }
0x8f: {  	_ =	swait.ge [sflag:s4], $0x4000  }
0x90: {  	[sflag:s4] =	ssyncset.done $0x0  }
0x91: {  	s26 =	simm.s32 $0x380;
	[sflag:s4] =	ssyncadd.s32 $0xFFFFC000  }
0x92: {  	[tilespmem:s5], [sflag:$0x1] =	stream.indirect.gather [hbm4b:s3+s14], $0x80, s26, s14, $0xb8;
	[tilespmem:$0x1C400] =	vst v63  }
0x93: {  	_ =	swait.ge [sflag:s24], $0x4000  }
0x94: {  	[sflag:s24] =	ssyncset.done $0x0  }
0x95: {  	s26 =	rddreg [dreg:$0xc];
	[sflag:s24] =	ssyncadd.s32 $0xFFFFC000  }
0x96: {  	[hbm4b:s26+s2] =	stream.linear.scatter [tilespmem:s18], [sflag:$0xB], $0x4000, $0x38;
	[tilespmem:$0x1C400] =	vst v63  }
0x97: {  	_ =	swait.ge [sflag:s23], $0x4000  }
0x98: {  	[sflag:s23] =	ssyncset.done $0x0  }
0x99: {  	s26 =	rddreg [dreg:$0xd];
	[sflag:s23] =	ssyncadd.s32 $0xFFFFC000  }
0x9a: {  	[hbm4b:s26+s2] =	stream.linear.scatter [tilespmem:s15], [sflag:$0xC], $0x4000, $0x38;
	[tilespmem:$0x1C400] =	vst v63  }
0x9b: {  	_ =	swait.ge [sflag:s21], $0x4000  }
0x9c: {  	[sflag:s21] =	ssyncset.done $0x0  }
0x9d: {  	s26 =	rddreg [dreg:$0xe];
	[sflag:s21] =	ssyncadd.s32 $0xFFFFC000  }
0x9e: {  	[hbm4b:s26+s2] =	stream.linear.scatter [tilespmem:s16], [sflag:$0xD], $0x4000, $0x38;
	[tilespmem:$0x1C400] =	vst v63  }
0x9f: {  	_ =	swait.ge [sflag:s19], $0x4000  }
0xa0: {  	[sflag:s19] =	ssyncset.done $0x0  }
0xa1: {  	s26 =	rddreg [dreg:$0xf];
	[sflag:s19] =	ssyncadd.s32 $0xFFFFC000  }
0xa2: {  	[hbm4b:s26+s2] =	stream.linear.scatter [tilespmem:s12], [sflag:$0xE], $0x4000, $0x38;
	[tilespmem:$0x1C400] =	vst v63  }
0xa3: {  	_ =	swait.ge [sflag:s7], $0x4000  }
0xa4: {  	[sflag:s7] =	ssyncset.done $0x0  }
0xa5: {  	s26 =	rddreg [dreg:$0x10];
	[sflag:s7] =	ssyncadd.s32 $0xFFFFC000  }
0xa6: {  	[hbm4b:s26+s2] =	stream.linear.scatter [tilespmem:s5], [sflag:$0x8], $0x4000, $0x38;
	[tilespmem:$0x1C400] =	vst v63  }
0xa7: {  	_ =	swait.ge [sflag:s17], $0x4000  }
0xa8: {  	[sflag:s17] =	ssyncset.done $0x0  }
0xa9: {  	[sflag:s17] =	ssyncadd.s32 $0xFFFFC000  }
0xaa: {  	_ =	swait.ge [sflag:s13], $0x4000  }
0xab: {  	[sflag:s13] =	ssyncset.done $0x0  }
0xac: {  	[sflag:s13] =	ssyncadd.s32 $0xFFFFC000  }
0xad: {  	_ =	swait.ge [sflag:s11], $0x4000  }
0xae: {  	[sflag:s11] =	ssyncset.done $0x0  }
0xaf: {  	[sflag:s11] =	ssyncadd.s32 $0xFFFFC000  }
0xb0: {  	_ =	swait.ge [sflag:s10], $0x4000  }
0xb1: {  	[sflag:s10] =	ssyncset.done $0x0  }
0xb2: {  	[sflag:s10] =	ssyncadd.s32 $0xFFFFC000  }
0xb3: {  	_ =	swait.ge [sflag:s9], $0x4000  }
0xb4: {  	[sflag:s9] =	ssyncset.done $0x0  }
0xb5: {  	p1 =	sne.s32 s1, $0x1;
	[sflag:s9] =	ssyncadd.s32 $0xFFFFC000  }
.Ltmp2:
0xb6: {  	_ =	swait.ge [sflag:s8], $0x4000;
	(pc) =	sbr.rel @p1 .LBB2_4-.Ltmp2, $4  }
0xb7: {  	[sflag:s8] =	ssyncset.done $0x0  }
0xb8: {  	[sflag:s8] =	ssyncadd.s32 $0xFFFFC000  }
0xb9: {  	_ =	swait.ge [sflag:s4], $0x4000  }
0xba: {  	s1 =	sadd.s32 $0xFFFFFFFF, s1;
	s0 =	rddreg [dreg:$0x7];
	[sflag:s4] =	ssyncset.done $0x0  }
0xbb: {  	s26 =	simm.s32 $0x380  }
.LBB2_6:
0xbc: {  	[sflag:s4] =	ssyncadd.s32 @p0 $0xFFFFC000  }
0xbd: {  	[tilespmem:s2], [sflag:$0xF] =	stream.linear.gather [hbm4b:s0+s2], $0x200, $0x38;
	[tilespmem:$0x1C400] =	vst v63  }
0xbe: {  	s1 =	rddreg [dreg:$0x8]  }
0xbf: {  	[tilespmem:s25], [sflag:$0x10] =	stream.linear.gather [hbm4b:s1+s2], $0x200, $0x38;
	[tilespmem:$0x1C400] =	vst v63  }
0xc0: {  	_ =	swait.ge [sflag:s30], $0x200  }
0xc1: {  	[sflag:s30] =	ssyncset.done $0x0  }
0xc2: {  	[sflag:s30] =	ssyncadd.s32 $0xFFFFFE00  }
0xc3: {  	[tilespmem:s5], [sflag:$0x1] =	stream.indirect.gather [hbm4b:s6+s14], $0x80, s2, s14, $0xb8;
	[tilespmem:$0x1C400] =	vst v63  }
0xc4: {  	_ = 	snop  }
0xc5: {  	[tilespmem:s22], [sflag:$0x2] =	stream.indirect.gather [hbm4b:s6+s14], $0x80, s14, s14, $0xb8;
	[tilespmem:$0x1C400] =	vst v63  }
0xc6: {  	s1 =	rddreg [dreg:$0x11]  }
0xc7: {  	[tilespmem:s20], [sflag:$0x3] =	stream.indirect.gather [hbm4b:s6+s14], $0x80, s1, s14, $0xb8;
	[tilespmem:$0x1C400] =	vst v63  }
0xc8: {  	s30 =	rddreg [dreg:$0x12]  }
0xc9: {  	[tilespmem:s18], [sflag:$0x4] =	stream.indirect.gather [hbm4b:s6+s14], $0x80, s30, s14, $0xb8;
	[tilespmem:$0x1C400] =	vst v63  }
0xca: {  	_ =	swait.ge [sflag:s31], $0x200  }
0xcb: {  	[sflag:s31] =	ssyncset.done $0x0  }
0xcc: {  	[sflag:s31] =	ssyncadd.s32 $0xFFFFFE00  }
0xcd: {  	[tilespmem:s15], [sflag:$0x5] =	stream.indirect.gather [hbm4b:s3+s14], $0x80, s25, s14, $0xb8;
	[tilespmem:$0x1C400] =	vst v63  }
0xce: {  	_ =	swait.ge [sflag:s7], $0x4000  }
0xcf: {  	[sflag:s7] =	ssyncset.done $0x0  }
0xd0: {  	s30 =	rddreg [dreg:$0x9];
	[sflag:s7] =	ssyncadd.s32 $0xFFFFC000  }
0xd1: {  	[hbm4b:s30+s2] =	stream.linear.scatter [tilespmem:s5], [sflag:$0x8], $0x4000, $0x38;
	[tilespmem:$0x1C400] =	vst v63  }
0xd2: {  	s31 =	rddreg [dreg:$0x13]  }
0xd3: {  	[tilespmem:s16], [sflag:$0x6] =	stream.indirect.gather [hbm4b:s3+s14], $0x80, s31, s14, $0xb8;
	[tilespmem:$0x1C400] =	vst v63  }
0xd4: {  	_ =	swait.ge [sflag:s29], $0x4000  }
0xd5: {  	[sflag:s29] =	ssyncset.done $0x0  }
0xd6: {  	s1 =	rddreg [dreg:$0xa];
	[sflag:s29] =	ssyncadd.s32 $0xFFFFC000  }
0xd7: {  	[hbm4b:s1+s2] =	stream.linear.scatter [tilespmem:s22], [sflag:$0x9], $0x4000, $0x38;
	[tilespmem:$0x1C400] =	vst v63  }
0xd8: {  	s6 =	rddreg [dreg:$0x14]  }
0xd9: {  	[tilespmem:s12], [sflag:$0x7] =	stream.indirect.gather [hbm4b:s3+s14], $0x80, s6, s14, $0xb8;
	[tilespmem:$0x1C400] =	vst v63  }
0xda: {  	_ =	swait.ge [sflag:s28], $0x4000  }
0xdb: {  	[sflag:s28] =	ssyncset.done $0x0  }
0xdc: {  	s22 =	rddreg [dreg:$0xb];
	[sflag:s28] =	ssyncadd.s32 $0xFFFFC000  }
0xdd: {  	[hbm4b:s22+s2] =	stream.linear.scatter [tilespmem:s20], [sflag:$0xA], $0x4000, $0x38;
	[tilespmem:$0x1C400] =	vst v63  }
0xde: {  	_ =	swait.ge [sflag:s4], $0x4000  }
0xdf: {  	[sflag:s4] =	ssyncset.done $0x0  }
0xe0: {  	[sflag:s4] =	ssyncadd.s32 $0xFFFFC000  }
0xe1: {  	[tilespmem:s5], [sflag:$0x1] =	stream.indirect.gather [hbm4b:s3+s14], $0x80, s26, s14, $0xb8;
	[tilespmem:$0x1C400] =	vst v63  }
0xe2: {  	_ =	swait.ge [sflag:s24], $0x4000  }
0xe3: {  	[sflag:s24] =	ssyncset.done $0x0  }
0xe4: {  	s25 =	rddreg [dreg:$0xc];
	[sflag:s24] =	ssyncadd.s32 $0xFFFFC000  }
0xe5: {  	[hbm4b:s25+s2] =	stream.linear.scatter [tilespmem:s18], [sflag:$0xB], $0x4000, $0x38;
	[tilespmem:$0x1C400] =	vst v63  }
0xe6: {  	_ =	swait.ge [sflag:s23], $0x4000  }
0xe7: {  	[sflag:s23] =	ssyncset.done $0x0  }
0xe8: {  	s26 =	rddreg [dreg:$0xd];
	[sflag:s23] =	ssyncadd.s32 $0xFFFFC000  }
0xe9: {  	[hbm4b:s26+s2] =	stream.linear.scatter [tilespmem:s15], [sflag:$0xC], $0x4000, $0x38;
	[tilespmem:$0x1C400] =	vst v63  }
0xea: {  	_ =	swait.ge [sflag:s21], $0x4000  }
0xeb: {  	[sflag:s21] =	ssyncset.done $0x0  }
0xec: {  	s28 =	rddreg [dreg:$0xe];
	[sflag:s21] =	ssyncadd.s32 $0xFFFFC000  }
0xed: {  	[hbm4b:s28+s2] =	stream.linear.scatter [tilespmem:s16], [sflag:$0xD], $0x4000, $0x38;
	[tilespmem:$0x1C400] =	vst v63  }
0xee: {  	_ =	swait.ge [sflag:s19], $0x4000  }
0xef: {  	[sflag:s19] =	ssyncset.done $0x0  }
0xf0: {  	s29 =	rddreg [dreg:$0xf];
	[sflag:s19] =	ssyncadd.s32 $0xFFFFC000  }
0xf1: {  	[hbm4b:s29+s2] =	stream.linear.scatter [tilespmem:s12], [sflag:$0xE], $0x4000, $0x38;
	[tilespmem:$0x1C400] =	vst v63  }
0xf2: {  	_ =	swait.ge [sflag:s7], $0x4000  }
0xf3: {  	[sflag:s7] =	ssyncset.done $0x0  }
0xf4: {  	s30 =	rddreg [dreg:$0x10];
	[sflag:s7] =	ssyncadd.s32 $0xFFFFC000  }
0xf5: {  	[hbm4b:s30+s2] =	stream.linear.scatter [tilespmem:s5], [sflag:$0x8], $0x4000, $0x38;
	[tilespmem:$0x1C400] =	vst v63  }
0xf6: {  	_ =	swait.ge [sflag:s17], $0x4000  }
0xf7: {  	[sflag:s17] =	ssyncset.done $0x0  }
0xf8: {  	[sflag:s17] =	ssyncadd.s32 $0xFFFFC000  }
0xf9: {  	_ =	swait.ge [sflag:s13], $0x4000  }
0xfa: {  	[sflag:s13] =	ssyncset.done $0x0  }
0xfb: {  	[sflag:s13] =	ssyncadd.s32 $0xFFFFC000  }
0xfc: {  	_ =	swait.ge [sflag:s11], $0x4000  }
0xfd: {  	[sflag:s11] =	ssyncset.done $0x0  }
0xfe: {  	[sflag:s11] =	ssyncadd.s32 $0xFFFFC000  }
0xff: {  	_ =	swait.ge [sflag:s10], $0x4000  }
0x100: {  	[sflag:s10] =	ssyncset.done $0x0  }
0x101: {  	[sflag:s10] =	ssyncadd.s32 $0xFFFFC000  }
0x102: {  	_ =	swait.ge [sflag:s9], $0x4000  }
0x103: {  	[sflag:s9] =	ssyncset.done $0x0  }
0x104: {  	[sflag:s9] =	ssyncadd.s32 $0xFFFFC000  }
0x105: {  	_ =	swait.ge [sflag:s8], $0x4000  }
0x106: {  	[sflag:s8] =	ssyncset.done $0x0  }
0x107: {  	[sflag:s8] =	ssyncadd.s32 $0xFFFFC000  }
0x108: {  	_ =	swait.ge [sflag:s4], $0x4000  }
0x109: {  	[sflag:s4] =	ssyncset.done $0x0  }
0x10a: {  	[sflag:s4] =	ssyncadd.s32 $0xFFFFC000  }
0x10b: {  	_ =	sfence.sel $0x180000  }
0x10c: {  	[bflag:$0x0] =	sbarrier.arrive $0xFFFF  }
0x10d: {  	_ =	strace $0x90000047  }
0x10e: {  	s31 =	stileid.u32;
	[bflag:$0x2] =	sbarrier.arrive $0xFFFF  }
0x10f: {  	p0 =	sne.s32 s31, $0x0;
	s0 =	rddreg [dreg:$0x6]  }
0x110: {  	s0 =	sadd.s32 @!p0 $0x100000, s0  }
0x111: {  	[sflag:s0] =	ssyncadd.tile.s32 @!p0 $0x1;
	_ =	shalt  }
.LBB2_1:
.Ltmp3:
0x112: {  	(pc) =	sbr.rel .LBB2_6-.Ltmp3, $2  }
0x113: {  	_ =	sdelay $0x2  }
0x114: {  	s26 =	simm.s32 $0x380  }
.LBB2_3:
.Ltmp4:
0x115: {  	(pc) =	sbr.rel .LBB2_6-.Ltmp4, $2  }
0x116: {  	_ =	sdelay $0x2  }
0x117: {  	s26 =	simm.s32 $0x380  }
.Lfunc_end2:
_tile_overlayer_lowered:
.L_overlay_start_2:
0x118: {  	(tag) =	ssettag $0x2  }
0x119: {  	s0 =	rddreg [dreg:$0x0];
	s2 =	stileid.u32  }
0x11a: {  	s1 =	rddreg [dreg:$0x1];
	p0 =	sne.s32 s2, $0x0  }
0x11b: {  	s3 =	rddreg [dreg:$0x2];
	[bflag:$0x3] =	sbarrier.arrive $0xFFFF;
	s2 =	simm.s32 @!p0 $0x1C11  }
0x11c: {  	[timem:s3], [sflag:s2] =	dma.local @!p0 [hbm:s0], s1  }
0x11d: {  	s0 =	simm.s32 @!p0 $0x11  }
0x11e: {  	_ =	swait.ge @!p0 [sflag:s0], s1  }
0x11f: {  	s1 =	ssub.s32 @!p0 $0x0, s1;
	[sflag:s0] =	ssyncset.done @!p0 $0x0  }
0x120: {  	[sflag:s0] =	ssyncadd.s32 @!p0 s1  }
0x121: {  	[bflag:$0x3] =	sbarrier.arrive $0xFFFF  }
0x122: {  	_ =	shalt  }

</sc_bundles>
